<compile_context>
chip_gen: v7x
topology: tpu7x:2x2x1
jax: 0.10.2.dev20260603
libtpu: 0.0.44.dev20260713+nightly
codegen_flags: <defaults>
</compile_context>

<pallas_src>
import functools

import jax
import jax.numpy as jnp
from jax import lax
from jax.experimental import pallas as pl
from jax.experimental.pallas import tpu as pltpu
from jax.experimental.pallas import tpu_sc as plsc

_B, _N, _D = 16, 4096, 3
_G, _K = 256, 32
_BIG = 1e30
_NSUB = 32
_RPW = _B * _G // _NSUB


def _fps_body(x_ref, y_ref, z_ref, cidx_ref, cx_ref, cy_ref, cz_ref, dist_ref):
    x = x_ref[0]
    y = y_ref[0]
    z = z_ref[0]
    iota_n = jax.lax.broadcasted_iota(jnp.int32, (_B, _N), 1)
    iota_g = jax.lax.broadcasted_iota(jnp.int32, (_B, _G), 1)
    dist_ref[...] = jnp.full((_B, _N), 1e10, jnp.float32)
    cidx_ref[...] = jnp.zeros((_B, _G), jnp.int32)
    cx_ref[...] = jnp.zeros((_B, _G), jnp.float32)
    cy_ref[...] = jnp.zeros((_B, _G), jnp.float32)
    cz_ref[...] = jnp.zeros((_B, _G), jnp.float32)

    def body(i, carry):
        dist = dist_ref[...]
        m = jnp.max(dist, axis=1, keepdims=True)
        far = jnp.min(jnp.where(dist == m, iota_n, _N), axis=1, keepdims=True)
        oh_i = (iota_g == i).astype(jnp.int32)
        oh_f = oh_i.astype(jnp.float32)
        cidx_ref[...] = cidx_ref[...] + oh_i * far
        sel = iota_n == far
        fx = jnp.sum(jnp.where(sel, x, 0.0), axis=1, keepdims=True)
        fy = jnp.sum(jnp.where(sel, y, 0.0), axis=1, keepdims=True)
        fz = jnp.sum(jnp.where(sel, z, 0.0), axis=1, keepdims=True)
        cx_ref[...] = cx_ref[...] + oh_f * fx
        cy_ref[...] = cy_ref[...] + oh_f * fy
        cz_ref[...] = cz_ref[...] + oh_f * fz
        dx = x - fx
        dy = y - fy
        dz = z - fz
        d = (dx * dx + dy * dy) + dz * dz
        dist_ref[...] = jnp.minimum(dist, d)
        return carry

    jax.lax.fori_loop(0, _G, body, 0)


def _dist_body(x_ref, y_ref, z_ref, cx_ref, cy_ref, cz_ref, c3_ref, p3t_ref,
               d2_ref):
    x = x_ref[0]
    y = y_ref[0]
    z = z_ref[0]
    cx = cx_ref[0]
    cy = cy_ref[0]
    cz = cz_ref[0]
    psq = (x * x + y * y) + z * z
    csq = (cx * cx + cy * cy) + cz * cz
    dot = jax.lax.dot_general(
        c3_ref[0], p3t_ref[0], (((1,), (0,)), ((), ())),
        precision=jax.lax.Precision.DEFAULT,
        preferred_element_type=jnp.float32)
    d2_ref[0] = (csq + psq) - 2.0 * dot


def _ffs(mask):
    v = plsc.all_reduce_ffs(mask)
    return jnp.min(v) if v.ndim else v


def _sc_topk_body(d2_hbm, idx_hbm, d2_v, cm_v, cm2_v, idx_v):
    wid = lax.axis_index("s") * 2 + lax.axis_index("c")
    base_row = wid * _RPW
    iota16 = jax.lax.broadcasted_iota(jnp.int32, (16,), 0)

    def row_body(r, carry):
        row = base_row + r
        off = pl.multiple_of(row * _N, _N)
        pltpu.sync_copy(d2_hbm.at[pl.ds(off, _N)], d2_v)

        def slot_body(j, c2):
            def inner(t, acc):
                ch = d2_v[pl.ds((j * 16 + t) * 16, 16)]
                mv = jnp.min(ch)
                return jnp.where(iota16 == t, jnp.full((16,), mv), acc)

            acc = jax.lax.fori_loop(0, 16, inner,
                                    jnp.full((16,), _BIG, jnp.float32))
            cm_v[pl.ds(j * 16, 16)] = acc
            cm2_vec = cm2_v[...]
            cm2_v[...] = jnp.where(iota16 == j, jnp.full((16,), jnp.min(acc)),
                                   cm2_vec)
            return c2

        jax.lax.fori_loop(0, 16, slot_body, 0)

        def k_body(k, carry2):
            c2 = cm2_v[...]
            m = jnp.min(c2)
            jstar = _ffs(c2 == m)
            cmv = cm_v[pl.ds(jstar * 16, 16)]
            cpos = _ffs(cmv == m)
            cstar = jstar * 16 + cpos
            ch = d2_v[pl.ds(cstar * 16, 16)]
            lane = _ffs(ch == m)
            gidx = cstar * 16 + lane
            slot = r * _K + (k // 16) * 16
            cur = idx_v[pl.ds(slot, 16)]
            idx_v[pl.ds(slot, 16)] = jnp.where(
                iota16 == k % 16, jnp.full((16,), gidx, jnp.int32), cur)
            ch2 = jnp.where(iota16 == lane, jnp.full((16,), _BIG), ch)
            d2_v[pl.ds(cstar * 16, 16)] = ch2
            cmv2 = jnp.where(iota16 == cpos, jnp.full((16,), jnp.min(ch2)),
                             cmv)
            cm_v[pl.ds(jstar * 16, 16)] = cmv2
            cm2b = cm2_v[...]
            cm2_v[...] = jnp.where(iota16 == jstar,
                                   jnp.full((16,), jnp.min(cmv2)), cm2b)
            return carry2

        jax.lax.fori_loop(0, _K, k_body, 0)
        return carry

    jax.lax.fori_loop(0, _RPW, row_body, 0)
    out_off = pl.multiple_of(base_row * _K, _RPW * _K)
    pltpu.sync_copy(idx_v, idx_hbm.at[pl.ds(out_off, _RPW * _K)])


def _make_sc_topk():
    return pl.kernel(
        _sc_topk_body,
        out_type=jax.ShapeDtypeStruct((_B * _G * _K,), jnp.int32),
        mesh=plsc.VectorSubcoreMesh(core_axis_name="c", subcore_axis_name="s"),
        compiler_params=pltpu.CompilerParams(needs_layout_passes=False),
        scratch_types=[
            pltpu.VMEM((_N,), jnp.float32),
            pltpu.VMEM((_G,), jnp.float32),
            pltpu.VMEM((16,), jnp.float32),
            pltpu.VMEM((_RPW * _K,), jnp.int32),
        ],
    )


def kernel(xyz):
    xt = jnp.transpose(xyz, (2, 0, 1))
    x3 = xt[:, None]
    x = x3[0]
    y = x3[1]
    z = x3[2]

    fps = pl.pallas_call(
        _fps_body,
        grid=(1,),
        in_specs=[pl.BlockSpec((1, _B, _N), lambda i: (0, 0, 0))] * 3,
        out_specs=[pl.BlockSpec((_B, _G), lambda i: (0, 0))] * 4,
        out_shape=[
            jax.ShapeDtypeStruct((_B, _G), jnp.int32),
            jax.ShapeDtypeStruct((_B, _G), jnp.float32),
            jax.ShapeDtypeStruct((_B, _G), jnp.float32),
            jax.ShapeDtypeStruct((_B, _G), jnp.float32),
        ],
        scratch_shapes=[pltpu.VMEM((_B, _N), jnp.float32)],
    )
    cidx, cx, cy, cz = fps(x, y, z)

    dist = pl.pallas_call(
        _dist_body,
        grid=(_B,),
        in_specs=[
            pl.BlockSpec((1, 1, _N), lambda i: (i, 0, 0)),
            pl.BlockSpec((1, 1, _N), lambda i: (i, 0, 0)),
            pl.BlockSpec((1, 1, _N), lambda i: (i, 0, 0)),
            pl.BlockSpec((1, _G, 1), lambda i: (i, 0, 0)),
            pl.BlockSpec((1, _G, 1), lambda i: (i, 0, 0)),
            pl.BlockSpec((1, _G, 1), lambda i: (i, 0, 0)),
            pl.BlockSpec((1, _G, _D), lambda i: (i, 0, 0)),
            pl.BlockSpec((1, _D, _N), lambda i: (i, 0, 0)),
        ],
        out_specs=pl.BlockSpec((1, _G, _N), lambda i: (i, 0, 0)),
        out_shape=jax.ShapeDtypeStruct((_B, _G, _N), jnp.float32),
    )
    center = jnp.stack([cx, cy, cz], axis=-1)
    p3t = jnp.transpose(xyz, (0, 2, 1))
    d2 = dist(
        x.reshape(_B, 1, _N), y.reshape(_B, 1, _N), z.reshape(_B, 1, _N),
        cx[:, :, None], cy[:, :, None], cz[:, :, None],
        center, p3t,
    )
    idx = _make_sc_topk()(d2.reshape(_B * _G * _N)).reshape(_B, _G, _K)
    return (idx, cidx, center)

# --- scband reference (transcript-rebuilt; emitter-appended) ---
"""Pipeline reference for scband-group-34265249088347 (READ-ONLY COPY).

The authoritative reference and input builder live on the scoring server;
editing this copy changes nothing except your own understanding.
"""

import jax, jax.numpy as jnp
import numpy as np

GROUP_SIZE = 32
NUM_GROUP = 256
B, N, D = 16, 4096, 3


def fps(xyz, npoint):
    b, n, _ = xyz.shape

    def body(i, state):
        centroids, distance, farthest = state
        centroids = centroids.at[:, i].set(farthest)
        centroid = jnp.take_along_axis(xyz, farthest[:, None, None], axis=1)  # b,1,3
        dist = jnp.sum((xyz - centroid) ** 2, axis=-1)  # b,n
        distance = jnp.minimum(distance, dist)
        farthest = jnp.argmax(distance, axis=-1).astype(jnp.int32)
        return (centroids, distance, farthest)

    centroids = jnp.zeros((b, npoint), dtype=jnp.int32)
    distance = jnp.full((b, n), 1e10, dtype=xyz.dtype)
    farthest = jnp.zeros((b,), dtype=jnp.int32)
    centroids, _, _ = jax.lax.fori_loop(0, npoint, body, (centroids, distance, farthest))
    return centroids


def knn(points, centers, k):
    # points: B N 3, centers: B G 3 -> (dist, idx): B G k (k nearest points per center)
    d2 = (jnp.sum(centers ** 2, axis=-1, keepdims=True)
          + jnp.sum(points ** 2, axis=-1)[:, None, :]
          - 2.0 * jnp.einsum('bgd,bnd->bgn', centers, points))
    neg_d, idx = jax.lax.top_k(-d2, k)
    return -neg_d, idx


def setup_inputs(seed: int = 0) -> dict:
    key = jax.random.key(seed)
    xyz = jax.random.normal(key, (B, N, D), dtype=jnp.float32)
    return {"xyz": xyz}


def reference(xyz):
    center_idx = fps(xyz, NUM_GROUP)  # B, G (int32)
    gather_idx = jnp.broadcast_to(center_idx[:, :, None], (xyz.shape[0], NUM_GROUP, xyz.shape[2]))
    center = jnp.take_along_axis(xyz, gather_idx, axis=1)  # B, G, 3
    _, idx = knn(xyz, center, GROUP_SIZE)  # B, G, K
    assert idx.shape[1] == NUM_GROUP
    assert idx.shape[2] == GROUP_SIZE
    return (idx, center_idx, center)

if __name__ == "__main__":
    import jax
    _d = setup_inputs()
    print(jax.jit(kernel)(*tuple(_d.values())))

</pallas_src>

<mosaic_0001>
#map = affine_map<(d0, d1) -> (0)>
module attributes {stable_mosaic.version = 14 : i64} {
  func.func @_sc_topk_body(%arg0: i32, %arg1: i32, %arg2: memref<16777216xf32, #tpu.memory_space<hbm>>, %arg3: memref<131072xi32, #tpu.memory_space<hbm>>, %arg4: memref<4096xf32, #tpu.memory_space<vmem>>, %arg5: memref<256xf32, #tpu.memory_space<vmem>>, %arg6: memref<16xf32, #tpu.memory_space<vmem>>, %arg7: memref<4096xi32, #tpu.memory_space<vmem>>) attributes {dimension_semantics = [#tpu.dimension_semantics<core_parallel>, #tpu.dimension_semantics<subcore_parallel>], iteration_bounds = array<i64: 2, 16>, scalar_prefetch = 0 : i64, scratch_operands = 4 : i64, tpu.core_type = #tpu.core_type<sc_vector_subcore>, window_params = [{transform_indices = #map}, {transform_indices = #map}]} {
    %mul3A = arith.constant 2 : i32
    %mul3A_0 = arith.muli %arg1, %mul3A : i32
    %add3A = arith.addi %mul3A_0, %arg0 : i32
    %mul3A_1 = arith.constant 128 : i32
    %mul3A_2 = arith.muli %add3A, %mul3A_1 : i32
    %iota3A = tpu.iota {dimensions = array<i32: 0>} : vector<16xi32>
    %scan3A = arith.constant 0 : i32
    %scan3A_3 = arith.constant 0 : i32
    %scan3A_4 = arith.constant 128 : i32
    %scan3A_5 = arith.addi %scan3A_3, %scan3A_4 : i32
    %scan3A_6 = arith.constant 1 : i32
    scf.for %scan3A_10 = %scan3A_3 to %scan3A_5 step %scan3A_6  : i32 {
      %add3A_11 = arith.addi %mul3A_2, %scan3A_10 : i32
      %mul3A_12 = arith.constant 4096 : i32
      %mul3A_13 = arith.muli %add3A_11, %mul3A_12 : i32
      %multiple_of3A_14 = tpu.assume_multiple %mul3A_13, 4096 : i32
      "tpu.region"() ({
        %run_scoped3A = tpu.sem_alloc : memref<!tpu.dma_semaphore, #tpu.memory_space<semaphore_mem>>
        %dma_start3A = tpu.memref_slice %arg2[%multiple_of3A_14] : memref<16777216xf32, #tpu.memory_space<hbm>> -> memref<4096xf32, #tpu.memory_space<hbm>>
        %dma_start3A_27 = tpu.memref_slice %arg2[%multiple_of3A_14] : memref<16777216xf32, #tpu.memory_space<hbm>> -> memref<4096xf32, #tpu.memory_space<hbm>>
        tpu.enqueue_dma source(%dma_start3A_27 : memref<4096xf32, #tpu.memory_space<hbm>>) target(%arg4 : memref<4096xf32, #tpu.memory_space<vmem>>) target_semaphore(%run_scoped3A : memref<!tpu.dma_semaphore, #tpu.memory_space<semaphore_mem>>)
        %dma_wait3A = tpu.memref_slice %arg2[%multiple_of3A_14] : memref<16777216xf32, #tpu.memory_space<hbm>> -> memref<4096xf32, #tpu.memory_space<hbm>>
        %dma_wait3A_28 = tpu.memref_slice %arg2[%multiple_of3A_14] : memref<16777216xf32, #tpu.memory_space<hbm>> -> memref<4096xf32, #tpu.memory_space<hbm>>
        tpu.wait_dma2 semaphore(%run_scoped3A : memref<!tpu.dma_semaphore, #tpu.memory_space<semaphore_mem>>) src(%dma_wait3A_28 : memref<4096xf32, #tpu.memory_space<hbm>>) dst(%arg4 : memref<4096xf32, #tpu.memory_space<vmem>>)
        tpu.yield
      }) : () -> ()
      %scan3A_15 = arith.constant 0 : i32
      %scan3A_16 = arith.constant 0 : i32
      %scan3A_17 = arith.constant 16 : i32
      %scan3A_18 = arith.addi %scan3A_16, %scan3A_17 : i32
      %scan3A_19 = arith.constant 1 : i32
      scf.for %scan3A_27 = %scan3A_16 to %scan3A_18 step %scan3A_19  : i32 {
        %broadcast_in_dim3A = arith.constant 1.000000e+30 : f32
        %broadcast_in_dim3A_28 = vector.broadcast %broadcast_in_dim3A : f32 to vector<16xf32>
        %scan3A_29 = arith.constant 0 : i32
        %scan3A_30 = arith.constant 16 : i32
        %scan3A_31 = arith.addi %scan3A_29, %scan3A_30 : i32
        %scan3A_32 = arith.constant 1 : i32
        %scan3A_33 = scf.for %scan3A_46 = %scan3A_29 to %scan3A_31 step %scan3A_32 iter_args(%scan3A_47 = %broadcast_in_dim3A_28) -> (vector<16xf32>)  : i32 {
          %mul3A_48 = arith.constant 16 : i32
          %mul3A_49 = arith.muli %scan3A_27, %mul3A_48 : i32
          %add3A_50 = arith.addi %mul3A_49, %scan3A_46 : i32
          %mul3A_51 = arith.constant 16 : i32
          %mul3A_52 = arith.muli %add3A_50, %mul3A_51 : i32
          %get3A_53 = arith.index_cast %mul3A_52 : i32 to index
          %get3A_54 = tpu.vector_load %arg4[%get3A_53] {strides = array<i32>} : memref<4096xf32, #tpu.memory_space<vmem>>, vector<16xf32>,
          %reduce_min3A_55 = arith.constant true
          %reduce_min3A_56 = vector.broadcast %reduce_min3A_55 : i1 to vector<16xi1>
          %reduce_min3A_57 = tpu.scan <min>, %get3A_54 masked %reduce_min3A_56 : vector<16xf32>, vector<16xi1> -> vector<16xf32>
          %reduce_min3A_58 = vector.extract %reduce_min3A_57[15] : f32 from vector<16xf32>
          %eq3A_59 = vector.broadcast %scan3A_46 : i32 to vector<16xi32>
          %eq3A_60 = arith.cmpi eq, %iota3A, %eq3A_59 : vector<16xi32>
          %broadcast_in_dim3A_61 = vector.broadcast %reduce_min3A_58 : f32 to vector<16xf32>
          %select_n3A_62 = arith.select %eq3A_60, %broadcast_in_dim3A_61, %scan3A_47 : vector<16xi1>, vector<16xf32>
          scf.yield %select_n3A_62 : vector<16xf32>
        }
        %scan3A_34 = arith.constant 16 : i32
        %mul3A_35 = arith.constant 16 : i32
        %mul3A_36 = arith.muli %scan3A_27, %mul3A_35 : i32
        %swap3A = arith.index_cast %mul3A_36 : i32 to index
        %swap3A_37 = tpu.vector_load %arg5[%swap3A] {strides = array<i32>} : memref<256xf32, #tpu.memory_space<vmem>>, vector<16xf32>,
        tpu.vector_store %arg5[%swap3A], %scan3A_33 {strides = array<i32>} : memref<256xf32, #tpu.memory_space<vmem>>, vector<16xf32>,
        %get3A = arith.constant 0 : index
        %get3A_38 = tpu.vector_load %arg6[%get3A] {strides = array<i32>} : memref<16xf32, #tpu.memory_space<vmem>>, vector<16xf32>,
        %eq3A = vector.broadcast %scan3A_27 : i32 to vector<16xi32>
        %eq3A_39 = arith.cmpi eq, %iota3A, %eq3A : vector<16xi32>
        %reduce_min3A = arith.constant true
        %reduce_min3A_40 = vector.broadcast %reduce_min3A : i1 to vector<16xi1>
        %reduce_min3A_41 = tpu.scan <min>, %scan3A_33 masked %reduce_min3A_40 : vector<16xf32>, vector<16xi1> -> vector<16xf32>
        %reduce_min3A_42 = vector.extract %reduce_min3A_41[15] : f32 from vector<16xf32>
        %broadcast_in_dim3A_43 = vector.broadcast %reduce_min3A_42 : f32 to vector<16xf32>
        %select_n3A = arith.select %eq3A_39, %broadcast_in_dim3A_43, %get3A_38 : vector<16xi1>, vector<16xf32>
        %swap3A_44 = arith.constant 0 : index
        %swap3A_45 = tpu.vector_load %arg6[%swap3A_44] {strides = array<i32>} : memref<16xf32, #tpu.memory_space<vmem>>, vector<16xf32>,
        tpu.vector_store %arg6[%swap3A_44], %select_n3A {strides = array<i32>} : memref<16xf32, #tpu.memory_space<vmem>>, vector<16xf32>,
      }
      %scan3A_20 = arith.constant 16 : i32
      %scan3A_21 = arith.constant 0 : i32
      %scan3A_22 = arith.constant 0 : i32
      %scan3A_23 = arith.constant 32 : i32
      %scan3A_24 = arith.addi %scan3A_22, %scan3A_23 : i32
      %scan3A_25 = arith.constant 1 : i32
      scf.for %scan3A_27 = %scan3A_22 to %scan3A_24 step %scan3A_25  : i32 {
        %get3A = arith.constant 0 : index
        %get3A_28 = tpu.vector_load %arg6[%get3A] {strides = array<i32>} : memref<16xf32, #tpu.memory_space<vmem>>, vector<16xf32>,
        %reduce_min3A = arith.constant true
        %reduce_min3A_29 = vector.broadcast %reduce_min3A : i1 to vector<16xi1>
        %reduce_min3A_30 = tpu.scan <min>, %get3A_28 masked %reduce_min3A_29 : vector<16xf32>, vector<16xi1> -> vector<16xf32>
        %reduce_min3A_31 = vector.extract %reduce_min3A_30[15] : f32 from vector<16xf32>
        %eq3A = vector.broadcast %reduce_min3A_31 : f32 to vector<16xf32>
        %eq3A_32 = arith.cmpf oeq, %get3A_28, %eq3A : vector<16xf32>
        %all_reduce_ffs3A = tpu.all_reduce %eq3A_32 {dim = 0 : i64, kind = #tpu.reduction_kind<find_first_set>} : vector<16xi1> -> vector<16xi32>
        %reduce_min3A_33 = arith.constant true
        %reduce_min3A_34 = vector.broadcast %reduce_min3A_33 : i1 to vector<16xi1>
        %reduce_min3A_35 = arith.constant -2147483648 : i32
        %reduce_min3A_36 = vector.broadcast %reduce_min3A_35 : i32 to vector<16xi32>
        %reduce_min3A_37 = arith.xori %all_reduce_ffs3A, %reduce_min3A_36 : vector<16xi32>
        %reduce_min3A_38 = tpu.scan <min>, %reduce_min3A_37 masked %reduce_min3A_34 : vector<16xi32>, vector<16xi1> -> vector<16xi32>
        %reduce_min3A_39 = arith.xori %reduce_min3A_38, %reduce_min3A_36 : vector<16xi32>
        %reduce_min3A_40 = vector.extract %reduce_min3A_39[15] : i32 from vector<16xi32>
        %mul3A_41 = arith.constant 16 : i32
        %mul3A_42 = arith.muli %reduce_min3A_40, %mul3A_41 : i32
        %get3A_43 = arith.index_cast %mul3A_42 : i32 to index
        %get3A_44 = tpu.vector_load %arg5[%get3A_43] {strides = array<i32>} : memref<256xf32, #tpu.memory_space<vmem>>, vector<16xf32>,
        %eq3A_45 = vector.broadcast %reduce_min3A_31 : f32 to vector<16xf32>
        %eq3A_46 = arith.cmpf oeq, %get3A_44, %eq3A_45 : vector<16xf32>
        %all_reduce_ffs3A_47 = tpu.all_reduce %eq3A_46 {dim = 0 : i64, kind = #tpu.reduction_kind<find_first_set>} : vector<16xi1> -> vector<16xi32>
        %reduce_min3A_48 = arith.constant true
        %reduce_min3A_49 = vector.broadcast %reduce_min3A_48 : i1 to vector<16xi1>
        %reduce_min3A_50 = arith.constant -2147483648 : i32
        %reduce_min3A_51 = vector.broadcast %reduce_min3A_50 : i32 to vector<16xi32>
        %reduce_min3A_52 = arith.xori %all_reduce_ffs3A_47, %reduce_min3A_51 : vector<16xi32>
        %reduce_min3A_53 = tpu.scan <min>, %reduce_min3A_52 masked %reduce_min3A_49 : vector<16xi32>, vector<16xi1> -> vector<16xi32>
        %reduce_min3A_54 = arith.xori %reduce_min3A_53, %reduce_min3A_51 : vector<16xi32>
        %reduce_min3A_55 = vector.extract %reduce_min3A_54[15] : i32 from vector<16xi32>
        %mul3A_56 = arith.constant 16 : i32
        %mul3A_57 = arith.muli %reduce_min3A_40, %mul3A_56 : i32
        %add3A_58 = arith.addi %mul3A_57, %reduce_min3A_55 : i32
        %mul3A_59 = arith.constant 16 : i32
        %mul3A_60 = arith.muli %add3A_58, %mul3A_59 : i32
        %get3A_61 = arith.index_cast %mul3A_60 : i32 to index
        %get3A_62 = tpu.vector_load %arg4[%get3A_61] {strides = array<i32>} : memref<4096xf32, #tpu.memory_space<vmem>>, vector<16xf32>,
        %eq3A_63 = vector.broadcast %reduce_min3A_31 : f32 to vector<16xf32>
        %eq3A_64 = arith.cmpf oeq, %get3A_62, %eq3A_63 : vector<16xf32>
        %all_reduce_ffs3A_65 = tpu.all_reduce %eq3A_64 {dim = 0 : i64, kind = #tpu.reduction_kind<find_first_set>} : vector<16xi1> -> vector<16xi32>
        %reduce_min3A_66 = arith.constant true
        %reduce_min3A_67 = vector.broadcast %reduce_min3A_66 : i1 to vector<16xi1>
        %reduce_min3A_68 = arith.constant -2147483648 : i32
        %reduce_min3A_69 = vector.broadcast %reduce_min3A_68 : i32 to vector<16xi32>
        %reduce_min3A_70 = arith.xori %all_reduce_ffs3A_65, %reduce_min3A_69 : vector<16xi32>
        %reduce_min3A_71 = tpu.scan <min>, %reduce_min3A_70 masked %reduce_min3A_67 : vector<16xi32>, vector<16xi1> -> vector<16xi32>
        %reduce_min3A_72 = arith.xori %reduce_min3A_71, %reduce_min3A_69 : vector<16xi32>
        %reduce_min3A_73 = vector.extract %reduce_min3A_72[15] : i32 from vector<16xi32>
        %mul3A_74 = arith.constant 16 : i32
        %mul3A_75 = arith.muli %add3A_58, %mul3A_74 : i32
        %add3A_76 = arith.addi %mul3A_75, %reduce_min3A_73 : i32
        %mul3A_77 = arith.constant 32 : i32
        %mul3A_78 = arith.muli %scan3A_10, %mul3A_77 : i32
        %jit3A = arith.constant 16 : i32
        %div3A = arith.divsi %scan3A_27, %jit3A : i32
        %sign3A = arith.constant 0 : i32
        %sign3A_79 = arith.cmpi sgt, %scan3A_27, %sign3A : i32
        %sign3A_80 = arith.extui %sign3A_79 : i1 to i32
        %sign3A_81 = arith.constant 0 : i32
        %sign3A_82 = arith.cmpi slt, %scan3A_27, %sign3A_81 : i32
        %sign3A_83 = arith.extui %sign3A_82 : i1 to i32
        %sign3A_84 = arith.subi %sign3A_80, %sign3A_83 : i32
        %sign3A_85 = arith.constant 0 : i32
        %sign3A_86 = arith.cmpi sgt, %jit3A, %sign3A_85 : i32
        %sign3A_87 = arith.extui %sign3A_86 : i1 to i32
        %sign3A_88 = arith.constant 0 : i32
        %sign3A_89 = arith.cmpi slt, %jit3A, %sign3A_88 : i32
        %sign3A_90 = arith.extui %sign3A_89 : i1 to i32
        %sign3A_91 = arith.subi %sign3A_87, %sign3A_90 : i32
        %ne3A = arith.cmpi ne, %sign3A_84, %sign3A_91 : i32
        %rem3A = arith.remsi %scan3A_27, %jit3A : i32
        %ne3A_92 = arith.constant 0 : i32
        %ne3A_93 = arith.cmpi ne, %rem3A, %ne3A_92 : i32
        %and3A = arith.andi %ne3A, %ne3A_93 : i1
        %sub3A = arith.constant 1 : i32
        %sub3A_94 = arith.subi %div3A, %sub3A : i32
        %select_n3A = arith.select %and3A, %sub3A_94, %div3A : i32
        %mul3A_95 = arith.constant 16 : i32
        %mul3A_96 = arith.muli %select_n3A, %mul3A_95 : i32
        %add3A_97 = arith.addi %mul3A_78, %mul3A_96 : i32
        %get3A_98 = arith.index_cast %add3A_97 : i32 to index
        %get3A_99 = tpu.vector_load %arg7[%get3A_98] {strides = array<i32>} : memref<4096xi32, #tpu.memory_space<vmem>>, vector<16xi32>,
        %jit3A_100 = arith.constant 16 : i32
        %eq3A_101 = arith.constant 0 : i32
        %eq3A_102 = arith.cmpi eq, %jit3A_100, %eq3A_101 : i32
        %jit3A_103 = arith.constant 1 : i32
        %select_n3A_104 = arith.select %eq3A_102, %jit3A_103, %jit3A_100 : i32
        %rem3A_105 = arith.remsi %scan3A_27, %select_n3A_104 : i32
        %ne3A_106 = arith.constant 0 : i32
        %ne3A_107 = arith.cmpi ne, %rem3A_105, %ne3A_106 : i32
        %lt3A = arith.constant 0 : i32
        %lt3A_108 = arith.cmpi slt, %rem3A_105, %lt3A : i32
        %lt3A_109 = arith.constant 0 : i32
        %lt3A_110 = arith.cmpi slt, %select_n3A_104, %lt3A_109 : i32
        %ne3A_111 = arith.xori %lt3A_108, %lt3A_110 : i1
        %and3A_112 = arith.andi %ne3A_111, %ne3A_107 : i1
        %add3A_113 = arith.addi %rem3A_105, %select_n3A_104 : i32
        %select_n3A_114 = arith.select %and3A_112, %add3A_113, %rem3A_105 : i32
        %eq3A_115 = vector.broadcast %select_n3A_114 : i32 to vector<16xi32>
        %eq3A_116 = arith.cmpi eq, %iota3A, %eq3A_115 : vector<16xi32>
        %broadcast_in_dim3A = vector.broadcast %add3A_76 : i32 to vector<16xi32>
        %select_n3A_117 = arith.select %eq3A_116, %broadcast_in_dim3A, %get3A_99 : vector<16xi1>, vector<16xi32>
        %swap3A = arith.index_cast %add3A_97 : i32 to index
        %swap3A_118 = tpu.vector_load %arg7[%swap3A] {strides = array<i32>} : memref<4096xi32, #tpu.memory_space<vmem>>, vector<16xi32>,
        tpu.vector_store %arg7[%swap3A], %select_n3A_117 {strides = array<i32>} : memref<4096xi32, #tpu.memory_space<vmem>>, vector<16xi32>,
        %eq3A_119 = vector.broadcast %reduce_min3A_73 : i32 to vector<16xi32>
        %eq3A_120 = arith.cmpi eq, %iota3A, %eq3A_119 : vector<16xi32>
        %broadcast_in_dim3A_121 = arith.constant 1.000000e+30 : f32
        %broadcast_in_dim3A_122 = vector.broadcast %broadcast_in_dim3A_121 : f32 to vector<16xf32>
        %select_n3A_123 = arith.select %eq3A_120, %broadcast_in_dim3A_122, %get3A_62 : vector<16xi1>, vector<16xf32>
        %mul3A_124 = arith.constant 16 : i32
        %mul3A_125 = arith.muli %add3A_58, %mul3A_124 : i32
        %swap3A_126 = arith.index_cast %mul3A_125 : i32 to index
        %swap3A_127 = tpu.vector_load %arg4[%swap3A_126] {strides = array<i32>} : memref<4096xf32, #tpu.memory_space<vmem>>, vector<16xf32>,
        tpu.vector_store %arg4[%swap3A_126], %select_n3A_123 {strides = array<i32>} : memref<4096xf32, #tpu.memory_space<vmem>>, vector<16xf32>,
        %eq3A_128 = vector.broadcast %reduce_min3A_55 : i32 to vector<16xi32>
        %eq3A_129 = arith.cmpi eq, %iota3A, %eq3A_128 : vector<16xi32>
        %reduce_min3A_130 = arith.constant true
        %reduce_min3A_131 = vector.broadcast %reduce_min3A_130 : i1 to vector<16xi1>
        %reduce_min3A_132 = tpu.scan <min>, %select_n3A_123 masked %reduce_min3A_131 : vector<16xf32>, vector<16xi1> -> vector<16xf32>
        %reduce_min3A_133 = vector.extract %reduce_min3A_132[15] : f32 from vector<16xf32>
        %broadcast_in_dim3A_134 = vector.broadcast %reduce_min3A_133 : f32 to vector<16xf32>
        %select_n3A_135 = arith.select %eq3A_129, %broadcast_in_dim3A_134, %get3A_44 : vector<16xi1>, vector<16xf32>
        %mul3A_136 = arith.constant 16 : i32
        %mul3A_137 = arith.muli %reduce_min3A_40, %mul3A_136 : i32
        %swap3A_138 = arith.index_cast %mul3A_137 : i32 to index
        %swap3A_139 = tpu.vector_load %arg5[%swap3A_138] {strides = array<i32>} : memref<256xf32, #tpu.memory_space<vmem>>, vector<16xf32>,
        tpu.vector_store %arg5[%swap3A_138], %select_n3A_135 {strides = array<i32>} : memref<256xf32, #tpu.memory_space<vmem>>, vector<16xf32>,
        %get3A_140 = arith.constant 0 : index
        %get3A_141 = tpu.vector_load %arg6[%get3A_140] {strides = array<i32>} : memref<16xf32, #tpu.memory_space<vmem>>, vector<16xf32>,
        %eq3A_142 = vector.broadcast %reduce_min3A_40 : i32 to vector<16xi32>
        %eq3A_143 = arith.cmpi eq, %iota3A, %eq3A_142 : vector<16xi32>
        %reduce_min3A_144 = arith.constant true
        %reduce_min3A_145 = vector.broadcast %reduce_min3A_144 : i1 to vector<16xi1>
        %reduce_min3A_146 = tpu.scan <min>, %select_n3A_135 masked %reduce_min3A_145 : vector<16xf32>, vector<16xi1> -> vector<16xf32>
        %reduce_min3A_147 = vector.extract %reduce_min3A_146[15] : f32 from vector<16xf32>
        %broadcast_in_dim3A_148 = vector.broadcast %reduce_min3A_147 : f32 to vector<16xf32>
        %select_n3A_149 = arith.select %eq3A_143, %broadcast_in_dim3A_148, %get3A_141 : vector<16xi1>, vector<16xf32>
        %swap3A_150 = arith.constant 0 : index
        %swap3A_151 = tpu.vector_load %arg6[%swap3A_150] {strides = array<i32>} : memref<16xf32, #tpu.memory_space<vmem>>, vector<16xf32>,
        tpu.vector_store %arg6[%swap3A_150], %select_n3A_149 {strides = array<i32>} : memref<16xf32, #tpu.memory_space<vmem>>, vector<16xf32>,
      }
      %scan3A_26 = arith.constant 32 : i32
    }
    %scan3A_7 = arith.constant 128 : i32
    %mul3A_8 = arith.constant 32 : i32
    %mul3A_9 = arith.muli %mul3A_2, %mul3A_8 : i32
    %multiple_of3A = tpu.assume_multiple %mul3A_9, 4096 : i32
    "tpu.region"() ({
      %run_scoped3A = tpu.sem_alloc : memref<!tpu.dma_semaphore, #tpu.memory_space<semaphore_mem>>
      %dma_start3A = tpu.memref_slice %arg3[%multiple_of3A] : memref<131072xi32, #tpu.memory_space<hbm>> -> memref<4096xi32, #tpu.memory_space<hbm>>
      %dma_start3A_10 = tpu.memref_slice %arg3[%multiple_of3A] : memref<131072xi32, #tpu.memory_space<hbm>> -> memref<4096xi32, #tpu.memory_space<hbm>>
      tpu.enqueue_dma source(%arg7 : memref<4096xi32, #tpu.memory_space<vmem>>) target(%dma_start3A_10 : memref<4096xi32, #tpu.memory_space<hbm>>) target_semaphore(%run_scoped3A : memref<!tpu.dma_semaphore, #tpu.memory_space<semaphore_mem>>)
      %dma_wait3A = tpu.memref_slice %arg3[%multiple_of3A] : memref<131072xi32, #tpu.memory_space<hbm>> -> memref<4096xi32, #tpu.memory_space<hbm>>
      %dma_wait3A_11 = tpu.memref_slice %arg3[%multiple_of3A] : memref<131072xi32, #tpu.memory_space<hbm>> -> memref<4096xi32, #tpu.memory_space<hbm>>
      tpu.wait_dma2 semaphore(%run_scoped3A : memref<!tpu.dma_semaphore, #tpu.memory_space<semaphore_mem>>) src(%arg7 : memref<4096xi32, #tpu.memory_space<vmem>>) dst(%dma_wait3A_11 : memref<4096xi32, #tpu.memory_space<hbm>>)
      tpu.yield
    }) : () -> ()
    return
  }
}

module attributes {stable_mosaic.version = 14 : i64} {
  func.func @_fps_body(%arg0: i32, %arg1: memref<1x16x4096xf32, #tpu.memory_space<vmem>>, %arg2: memref<1x16x4096xf32, #tpu.memory_space<vmem>>, %arg3: memref<1x16x4096xf32, #tpu.memory_space<vmem>>, %arg4: memref<16x256xi32, #tpu.memory_space<vmem>>, %arg5: memref<16x256xf32, #tpu.memory_space<vmem>>, %arg6: memref<16x256xf32, #tpu.memory_space<vmem>>, %arg7: memref<16x256xf32, #tpu.memory_space<vmem>>, %arg8: memref<16x4096xf32, #tpu.memory_space<vmem>>) attributes {dimension_semantics = [#tpu.dimension_semantics<arbitrary>], iteration_bounds = array<i64: 1>, scalar_prefetch = 0 : i64, scratch_operands = 1 : i64, tpu.core_type = #tpu.core_type<tc>, window_params = [{pipeline_mode = #tpu.pipeline_mode<synchronous>, transform_indices = @transform_0, window_bounds = array<i64: 1, 16, 4096>}, {pipeline_mode = #tpu.pipeline_mode<synchronous>, transform_indices = @transform_1, window_bounds = array<i64: 1, 16, 4096>}, {pipeline_mode = #tpu.pipeline_mode<synchronous>, transform_indices = @transform_2, window_bounds = array<i64: 1, 16, 4096>}, {pipeline_mode = #tpu.pipeline_mode<synchronous>, transform_indices = @transform_3, window_bounds = array<i64: 16, 256>}, {pipeline_mode = #tpu.pipeline_mode<synchronous>, transform_indices = @transform_4, window_bounds = array<i64: 16, 256>}, {pipeline_mode = #tpu.pipeline_mode<synchronous>, transform_indices = @transform_5, window_bounds = array<i64: 16, 256>}, {pipeline_mode = #tpu.pipeline_mode<synchronous>, transform_indices = @transform_6, window_bounds = array<i64: 16, 256>}]} {
    %get3A = arith.constant 0 : index
    %get3A_0 = arith.constant 0 : index
    %get3A_1 = arith.constant 0 : index
    %get3A_2 = vector.load %arg1[%get3A, %get3A_0, %get3A_1] : memref<1x16x4096xf32, #tpu.memory_space<vmem>>, vector<1x16x4096xf32>
    %get3A_3 = vector.shape_cast %get3A_2 : vector<1x16x4096xf32> to vector<16x4096xf32>
    %get3A_4 = arith.constant 0 : index
    %get3A_5 = arith.constant 0 : index
    %get3A_6 = arith.constant 0 : index
    %get3A_7 = vector.load %arg2[%get3A_4, %get3A_5, %get3A_6] : memref<1x16x4096xf32, #tpu.memory_space<vmem>>, vector<1x16x4096xf32>
    %get3A_8 = vector.shape_cast %get3A_7 : vector<1x16x4096xf32> to vector<16x4096xf32>
    %get3A_9 = arith.constant 0 : index
    %get3A_10 = arith.constant 0 : index
    %get3A_11 = arith.constant 0 : index
    %get3A_12 = vector.load %arg3[%get3A_9, %get3A_10, %get3A_11] : memref<1x16x4096xf32, #tpu.memory_space<vmem>>, vector<1x16x4096xf32>
    %get3A_13 = vector.shape_cast %get3A_12 : vector<1x16x4096xf32> to vector<16x4096xf32>
    %iota3A = tpu.iota {dimensions = array<i32: 1>} : vector<16x4096xi32>
    %iota3A_14 = tpu.iota {dimensions = array<i32: 1>} : vector<16x256xi32>
    %broadcast_in_dim3A = arith.constant 1.000000e+10 : f32
    %broadcast_in_dim3A_15 = vector.broadcast %broadcast_in_dim3A : f32 to vector<16x4096xf32>
    %swap3A = arith.constant 0 : index
    %swap3A_16 = arith.constant 0 : index
    %swap3A_17 = vector.load %arg8[%swap3A, %swap3A_16] : memref<16x4096xf32, #tpu.memory_space<vmem>>, vector<16x4096xf32>
    tpu.vector_store %arg8[%swap3A, %swap3A_16], %broadcast_in_dim3A_15 {strides = array<i32>} : memref<16x4096xf32, #tpu.memory_space<vmem>>, vector<16x4096xf32>,
    %broadcast_in_dim3A_18 = arith.constant 0 : i32
    %broadcast_in_dim3A_19 = vector.broadcast %broadcast_in_dim3A_18 : i32 to vector<16x256xi32>
    %swap3A_20 = arith.constant 0 : index
    %swap3A_21 = arith.constant 0 : index
    %swap3A_22 = vector.load %arg4[%swap3A_20, %swap3A_21] : memref<16x256xi32, #tpu.memory_space<vmem>>, vector<16x256xi32>
    tpu.vector_store %arg4[%swap3A_20, %swap3A_21], %broadcast_in_dim3A_19 {strides = array<i32>} : memref<16x256xi32, #tpu.memory_space<vmem>>, vector<16x256xi32>,
    %broadcast_in_dim3A_23 = arith.constant 0.000000e+00 : f32
    %broadcast_in_dim3A_24 = vector.broadcast %broadcast_in_dim3A_23 : f32 to vector<16x256xf32>
    %swap3A_25 = arith.constant 0 : index
    %swap3A_26 = arith.constant 0 : index
    %swap3A_27 = vector.load %arg5[%swap3A_25, %swap3A_26] : memref<16x256xf32, #tpu.memory_space<vmem>>, vector<16x256xf32>
    tpu.vector_store %arg5[%swap3A_25, %swap3A_26], %broadcast_in_dim3A_24 {strides = array<i32>} : memref<16x256xf32, #tpu.memory_space<vmem>>, vector<16x256xf32>,
    %broadcast_in_dim3A_28 = arith.constant 0.000000e+00 : f32
    %broadcast_in_dim3A_29 = vector.broadcast %broadcast_in_dim3A_28 : f32 to vector<16x256xf32>
    %swap3A_30 = arith.constant 0 : index
    %swap3A_31 = arith.constant 0 : index
    %swap3A_32 = vector.load %arg6[%swap3A_30, %swap3A_31] : memref<16x256xf32, #tpu.memory_space<vmem>>, vector<16x256xf32>
    tpu.vector_store %arg6[%swap3A_30, %swap3A_31], %broadcast_in_dim3A_29 {strides = array<i32>} : memref<16x256xf32, #tpu.memory_space<vmem>>, vector<16x256xf32>,
    %broadcast_in_dim3A_33 = arith.constant 0.000000e+00 : f32
    %broadcast_in_dim3A_34 = vector.broadcast %broadcast_in_dim3A_33 : f32 to vector<16x256xf32>
    %swap3A_35 = arith.constant 0 : index
    %swap3A_36 = arith.constant 0 : index
    %swap3A_37 = vector.load %arg7[%swap3A_35, %swap3A_36] : memref<16x256xf32, #tpu.memory_space<vmem>>, vector<16x256xf32>
    tpu.vector_store %arg7[%swap3A_35, %swap3A_36], %broadcast_in_dim3A_34 {strides = array<i32>} : memref<16x256xf32, #tpu.memory_space<vmem>>, vector<16x256xf32>,
    %scan3A = arith.constant 0 : i32
    %scan3A_38 = arith.constant 256 : i32
    %scan3A_39 = arith.addi %scan3A, %scan3A_38 : i32
    %scan3A_40 = arith.constant 1 : i32
    scf.for %scan3A_42 = %scan3A to %scan3A_39 step %scan3A_40  : i32 {
      %get3A_43 = arith.constant 0 : index
      %get3A_44 = arith.constant 0 : index
      %get3A_45 = vector.load %arg8[%get3A_43, %get3A_44] : memref<16x4096xf32, #tpu.memory_space<vmem>>, vector<16x4096xf32>
      %reduce_max3A = arith.constant dense<0xFF800000> : vector<16xf32>
      %reduce_max3A_46 = vector.multi_reduction <maximumf>, %get3A_45, %reduce_max3A [1] : vector<16x4096xf32> to vector<16xf32>
      %broadcast_in_dim3A_47 = vector.shape_cast %reduce_max3A_46 : vector<16xf32> to vector<16x1xf32>
      %eq3A = vector.broadcast %broadcast_in_dim3A_47 : vector<16x1xf32> to vector<16x4096xf32>
      %eq3A_48 = arith.cmpf oeq, %get3A_45, %eq3A : vector<16x4096xf32>
      %jit3A = arith.constant 4096 : i32
      %broadcast_in_dim3A_49 = vector.broadcast %jit3A : i32 to vector<16x4096xi32>
      %select_n3A = arith.select %eq3A_48, %iota3A, %broadcast_in_dim3A_49 : vector<16x4096xi1>, vector<16x4096xi32>
      %reduce_min3A = arith.constant dense<2147483647> : vector<16xi32>
      %reduce_min3A_50 = vector.multi_reduction <minsi>, %select_n3A, %reduce_min3A [1] : vector<16x4096xi32> to vector<16xi32>
      %broadcast_in_dim3A_51 = vector.shape_cast %reduce_min3A_50 : vector<16xi32> to vector<16x1xi32>
      %eq3A_52 = vector.broadcast %scan3A_42 : i32 to vector<16x256xi32>
      %eq3A_53 = arith.cmpi eq, %iota3A_14, %eq3A_52 : vector<16x256xi32>
      %convert_element_type3A = arith.extui %eq3A_53 : vector<16x256xi1> to vector<16x256xi32>
      %convert_element_type3A_54 = arith.sitofp %convert_element_type3A : vector<16x256xi32> to vector<16x256xf32>
      %get3A_55 = arith.constant 0 : index
      %get3A_56 = arith.constant 0 : index
      %get3A_57 = vector.load %arg4[%get3A_55, %get3A_56] : memref<16x256xi32, #tpu.memory_space<vmem>>, vector<16x256xi32>
      %mul3A = vector.broadcast %broadcast_in_dim3A_51 : vector<16x1xi32> to vector<16x256xi32>
      %mul3A_58 = arith.muli %convert_element_type3A, %mul3A : vector<16x256xi32>
      %add3A = arith.addi %get3A_57, %mul3A_58 : vector<16x256xi32>
      %swap3A_59 = arith.constant 0 : index
      %swap3A_60 = arith.constant 0 : index
      %swap3A_61 = vector.load %arg4[%swap3A_59, %swap3A_60] : memref<16x256xi32, #tpu.memory_space<vmem>>, vector<16x256xi32>
      tpu.vector_store %arg4[%swap3A_59, %swap3A_60], %add3A {strides = array<i32>} : memref<16x256xi32, #tpu.memory_space<vmem>>, vector<16x256xi32>,
      %eq3A_62 = vector.broadcast %broadcast_in_dim3A_51 : vector<16x1xi32> to vector<16x4096xi32>
      %eq3A_63 = arith.cmpi eq, %iota3A, %eq3A_62 : vector<16x4096xi32>
      %jit3A_64 = arith.constant 0.000000e+00 : f32
      %broadcast_in_dim3A_65 = vector.broadcast %jit3A_64 : f32 to vector<16x4096xf32>
      %select_n3A_66 = arith.select %eq3A_63, %get3A_3, %broadcast_in_dim3A_65 : vector<16x4096xi1>, vector<16x4096xf32>
      %reduce_sum3A = arith.constant dense<0.000000e+00> : vector<16xf32>
      %reduce_sum3A_67 = vector.multi_reduction <add>, %select_n3A_66, %reduce_sum3A [1] : vector<16x4096xf32> to vector<16xf32>
      %broadcast_in_dim3A_68 = vector.shape_cast %reduce_sum3A_67 : vector<16xf32> to vector<16x1xf32>
      %jit3A_69 = arith.constant 0.000000e+00 : f32
      %broadcast_in_dim3A_70 = vector.broadcast %jit3A_69 : f32 to vector<16x4096xf32>
      %select_n3A_71 = arith.select %eq3A_63, %get3A_8, %broadcast_in_dim3A_70 : vector<16x4096xi1>, vector<16x4096xf32>
      %reduce_sum3A_72 = arith.constant dense<0.000000e+00> : vector<16xf32>
      %reduce_sum3A_73 = vector.multi_reduction <add>, %select_n3A_71, %reduce_sum3A_72 [1] : vector<16x4096xf32> to vector<16xf32>
      %broadcast_in_dim3A_74 = vector.shape_cast %reduce_sum3A_73 : vector<16xf32> to vector<16x1xf32>
      %jit3A_75 = arith.constant 0.000000e+00 : f32
      %broadcast_in_dim3A_76 = vector.broadcast %jit3A_75 : f32 to vector<16x4096xf32>
      %select_n3A_77 = arith.select %eq3A_63, %get3A_13, %broadcast_in_dim3A_76 : vector<16x4096xi1>, vector<16x4096xf32>
      %reduce_sum3A_78 = arith.constant dense<0.000000e+00> : vector<16xf32>
      %reduce_sum3A_79 = vector.multi_reduction <add>, %select_n3A_77, %reduce_sum3A_78 [1] : vector<16x4096xf32> to vector<16xf32>
      %broadcast_in_dim3A_80 = vector.shape_cast %reduce_sum3A_79 : vector<16xf32> to vector<16x1xf32>
      %get3A_81 = arith.constant 0 : index
      %get3A_82 = arith.constant 0 : index
      %get3A_83 = vector.load %arg5[%get3A_81, %get3A_82] : memref<16x256xf32, #tpu.memory_space<vmem>>, vector<16x256xf32>
      %mul3A_84 = vector.broadcast %broadcast_in_dim3A_68 : vector<16x1xf32> to vector<16x256xf32>
      %mul3A_85 = arith.mulf %convert_element_type3A_54, %mul3A_84 : vector<16x256xf32>
      %add3A_86 = arith.addf %get3A_83, %mul3A_85 : vector<16x256xf32>
      %swap3A_87 = arith.constant 0 : index
      %swap3A_88 = arith.constant 0 : index
      %swap3A_89 = vector.load %arg5[%swap3A_87, %swap3A_88] : memref<16x256xf32, #tpu.memory_space<vmem>>, vector<16x256xf32>
      tpu.vector_store %arg5[%swap3A_87, %swap3A_88], %add3A_86 {strides = array<i32>} : memref<16x256xf32, #tpu.memory_space<vmem>>, vector<16x256xf32>,
      %get3A_90 = arith.constant 0 : index
      %get3A_91 = arith.constant 0 : index
      %get3A_92 = vector.load %arg6[%get3A_90, %get3A_91] : memref<16x256xf32, #tpu.memory_space<vmem>>, vector<16x256xf32>
      %mul3A_93 = vector.broadcast %broadcast_in_dim3A_74 : vector<16x1xf32> to vector<16x256xf32>
      %mul3A_94 = arith.mulf %convert_element_type3A_54, %mul3A_93 : vector<16x256xf32>
      %add3A_95 = arith.addf %get3A_92, %mul3A_94 : vector<16x256xf32>
      %swap3A_96 = arith.constant 0 : index
      %swap3A_97 = arith.constant 0 : index
      %swap3A_98 = vector.load %arg6[%swap3A_96, %swap3A_97] : memref<16x256xf32, #tpu.memory_space<vmem>>, vector<16x256xf32>
      tpu.vector_store %arg6[%swap3A_96, %swap3A_97], %add3A_95 {strides = array<i32>} : memref<16x256xf32, #tpu.memory_space<vmem>>, vector<16x256xf32>,
      %get3A_99 = arith.constant 0 : index
      %get3A_100 = arith.constant 0 : index
      %get3A_101 = vector.load %arg7[%get3A_99, %get3A_100] : memref<16x256xf32, #tpu.memory_space<vmem>>, vector<16x256xf32>
      %mul3A_102 = vector.broadcast %broadcast_in_dim3A_80 : vector<16x1xf32> to vector<16x256xf32>
      %mul3A_103 = arith.mulf %convert_element_type3A_54, %mul3A_102 : vector<16x256xf32>
      %add3A_104 = arith.addf %get3A_101, %mul3A_103 : vector<16x256xf32>
      %swap3A_105 = arith.constant 0 : index
      %swap3A_106 = arith.constant 0 : index
      %swap3A_107 = vector.load %arg7[%swap3A_105, %swap3A_106] : memref<16x256xf32, #tpu.memory_space<vmem>>, vector<16x256xf32>
      tpu.vector_store %arg7[%swap3A_105, %swap3A_106], %add3A_104 {strides = array<i32>} : memref<16x256xf32, #tpu.memory_space<vmem>>, vector<16x256xf32>,
      %sub3A = vector.broadcast %broadcast_in_dim3A_68 : vector<16x1xf32> to vector<16x4096xf32>
      %sub3A_108 = arith.subf %get3A_3, %sub3A : vector<16x4096xf32>
      %sub3A_109 = vector.broadcast %broadcast_in_dim3A_74 : vector<16x1xf32> to vector<16x4096xf32>
      %sub3A_110 = arith.subf %get3A_8, %sub3A_109 : vector<16x4096xf32>
      %sub3A_111 = vector.broadcast %broadcast_in_dim3A_80 : vector<16x1xf32> to vector<16x4096xf32>
      %sub3A_112 = arith.subf %get3A_13, %sub3A_111 : vector<16x4096xf32>
      %mul3A_113 = arith.mulf %sub3A_108, %sub3A_108 : vector<16x4096xf32>
      %mul3A_114 = arith.mulf %sub3A_110, %sub3A_110 : vector<16x4096xf32>
      %add3A_115 = arith.addf %mul3A_113, %mul3A_114 : vector<16x4096xf32>
      %mul3A_116 = arith.mulf %sub3A_112, %sub3A_112 : vector<16x4096xf32>
      %add3A_117 = arith.addf %add3A_115, %mul3A_116 : vector<16x4096xf32>
      %min3A = arith.minimumf %get3A_45, %add3A_117 : vector<16x4096xf32>
      %swap3A_118 = arith.constant 0 : index
      %swap3A_119 = arith.constant 0 : index
      %swap3A_120 = vector.load %arg8[%swap3A_118, %swap3A_119] : memref<16x4096xf32, #tpu.memory_space<vmem>>, vector<16x4096xf32>
      tpu.vector_store %arg8[%swap3A_118, %swap3A_119], %min3A {strides = array<i32>} : memref<16x4096xf32, #tpu.memory_space<vmem>>, vector<16x4096xf32>,
    }
    %scan3A_41 = arith.constant 256 : i32
    return
  }
  func.func @transform_0(%arg0: i32) -> (i32, i32, i32) {
    %c0_i32 = arith.constant 0 : i32
    %c0_i32_0 = arith.constant 0 : i32
    %c0_i32_1 = arith.constant 0 : i32
    %c0_i32_2 = arith.constant 0 : i32
    return %c0_i32, %c0_i32_0, %c0_i32_1 : i32, i32, i32
  }
  func.func @transform_1(%arg0: i32) -> (i32, i32, i32) {
    %c0_i32 = arith.constant 0 : i32
    %c0_i32_0 = arith.constant 0 : i32
    %c0_i32_1 = arith.constant 0 : i32
    %c0_i32_2 = arith.constant 0 : i32
    return %c0_i32, %c0_i32_0, %c0_i32_1 : i32, i32, i32
  }
  func.func @transform_2(%arg0: i32) -> (i32, i32, i32) {
    %c0_i32 = arith.constant 0 : i32
    %c0_i32_0 = arith.constant 0 : i32
    %c0_i32_1 = arith.constant 0 : i32
    %c0_i32_2 = arith.constant 0 : i32
    return %c0_i32, %c0_i32_0, %c0_i32_1 : i32, i32, i32
  }
  func.func @transform_3(%arg0: i32) -> (i32, i32) {
    %c0_i32 = arith.constant 0 : i32
    %c0_i32_0 = arith.constant 0 : i32
    %c0_i32_1 = arith.constant 0 : i32
    return %c0_i32, %c0_i32_0 : i32, i32
  }
  func.func @transform_4(%arg0: i32) -> (i32, i32) {
    %c0_i32 = arith.constant 0 : i32
    %c0_i32_0 = arith.constant 0 : i32
    %c0_i32_1 = arith.constant 0 : i32
    return %c0_i32, %c0_i32_0 : i32, i32
  }
  func.func @transform_5(%arg0: i32) -> (i32, i32) {
    %c0_i32 = arith.constant 0 : i32
    %c0_i32_0 = arith.constant 0 : i32
    %c0_i32_1 = arith.constant 0 : i32
    return %c0_i32, %c0_i32_0 : i32, i32
  }
  func.func @transform_6(%arg0: i32) -> (i32, i32) {
    %c0_i32 = arith.constant 0 : i32
    %c0_i32_0 = arith.constant 0 : i32
    %c0_i32_1 = arith.constant 0 : i32
    return %c0_i32, %c0_i32_0 : i32, i32
  }
}

module attributes {stable_mosaic.version = 14 : i64} {
  func.func @_dist_body(%arg0: i32, %arg1: memref<1x1x4096xf32, #tpu.memory_space<vmem>>, %arg2: memref<1x1x4096xf32, #tpu.memory_space<vmem>>, %arg3: memref<1x1x4096xf32, #tpu.memory_space<vmem>>, %arg4: memref<1x256x1xf32, #tpu.memory_space<vmem>>, %arg5: memref<1x256x1xf32, #tpu.memory_space<vmem>>, %arg6: memref<1x256x1xf32, #tpu.memory_space<vmem>>, %arg7: memref<1x256x3xf32, #tpu.memory_space<vmem>>, %arg8: memref<1x3x4096xf32, #tpu.memory_space<vmem>>, %arg9: memref<1x256x4096xf32, #tpu.memory_space<vmem>>) attributes {dimension_semantics = [#tpu.dimension_semantics<arbitrary>], iteration_bounds = array<i64: 16>, scalar_prefetch = 0 : i64, scratch_operands = 0 : i64, tpu.core_type = #tpu.core_type<tc>, window_params = [{transform_indices = @transform_0, window_bounds = array<i64: 1, 1, 4096>}, {transform_indices = @transform_1, window_bounds = array<i64: 1, 1, 4096>}, {transform_indices = @transform_2, window_bounds = array<i64: 1, 1, 4096>}, {transform_indices = @transform_3, window_bounds = array<i64: 1, 256, 1>}, {transform_indices = @transform_4, window_bounds = array<i64: 1, 256, 1>}, {transform_indices = @transform_5, window_bounds = array<i64: 1, 256, 1>}, {transform_indices = @transform_6, window_bounds = array<i64: 1, 256, 3>}, {transform_indices = @transform_7, window_bounds = array<i64: 1, 3, 4096>}, {transform_indices = @transform_8, window_bounds = array<i64: 1, 256, 4096>}]} {
    %get3A = arith.constant 0 : index
    %get3A_0 = arith.constant 0 : index
    %get3A_1 = arith.constant 0 : index
    %get3A_2 = vector.load %arg1[%get3A, %get3A_0, %get3A_1] : memref<1x1x4096xf32, #tpu.memory_space<vmem>>, vector<1x1x4096xf32>
    %get3A_3 = vector.shape_cast %get3A_2 : vector<1x1x4096xf32> to vector<1x4096xf32>
    %get3A_4 = arith.constant 0 : index
    %get3A_5 = arith.constant 0 : index
    %get3A_6 = arith.constant 0 : index
    %get3A_7 = vector.load %arg2[%get3A_4, %get3A_5, %get3A_6] : memref<1x1x4096xf32, #tpu.memory_space<vmem>>, vector<1x1x4096xf32>
    %get3A_8 = vector.shape_cast %get3A_7 : vector<1x1x4096xf32> to vector<1x4096xf32>
    %get3A_9 = arith.constant 0 : index
    %get3A_10 = arith.constant 0 : index
    %get3A_11 = arith.constant 0 : index
    %get3A_12 = vector.load %arg3[%get3A_9, %get3A_10, %get3A_11] : memref<1x1x4096xf32, #tpu.memory_space<vmem>>, vector<1x1x4096xf32>
    %get3A_13 = vector.shape_cast %get3A_12 : vector<1x1x4096xf32> to vector<1x4096xf32>
    %get3A_14 = arith.constant 0 : index
    %get3A_15 = arith.constant 0 : index
    %get3A_16 = arith.constant 0 : index
    %get3A_17 = vector.load %arg4[%get3A_14, %get3A_15, %get3A_16] : memref<1x256x1xf32, #tpu.memory_space<vmem>>, vector<1x256x1xf32>
    %get3A_18 = vector.shape_cast %get3A_17 : vector<1x256x1xf32> to vector<256x1xf32>
    %get3A_19 = arith.constant 0 : index
    %get3A_20 = arith.constant 0 : index
    %get3A_21 = arith.constant 0 : index
    %get3A_22 = vector.load %arg5[%get3A_19, %get3A_20, %get3A_21] : memref<1x256x1xf32, #tpu.memory_space<vmem>>, vector<1x256x1xf32>
    %get3A_23 = vector.shape_cast %get3A_22 : vector<1x256x1xf32> to vector<256x1xf32>
    %get3A_24 = arith.constant 0 : index
    %get3A_25 = arith.constant 0 : index
    %get3A_26 = arith.constant 0 : index
    %get3A_27 = vector.load %arg6[%get3A_24, %get3A_25, %get3A_26] : memref<1x256x1xf32, #tpu.memory_space<vmem>>, vector<1x256x1xf32>
    %get3A_28 = vector.shape_cast %get3A_27 : vector<1x256x1xf32> to vector<256x1xf32>
    %mul3A = arith.mulf %get3A_3, %get3A_3 : vector<1x4096xf32>
    %mul3A_29 = arith.mulf %get3A_8, %get3A_8 : vector<1x4096xf32>
    %add3A = arith.addf %mul3A, %mul3A_29 : vector<1x4096xf32>
    %mul3A_30 = arith.mulf %get3A_13, %get3A_13 : vector<1x4096xf32>
    %add3A_31 = arith.addf %add3A, %mul3A_30 : vector<1x4096xf32>
    %mul3A_32 = arith.mulf %get3A_18, %get3A_18 : vector<256x1xf32>
    %mul3A_33 = arith.mulf %get3A_23, %get3A_23 : vector<256x1xf32>
    %add3A_34 = arith.addf %mul3A_32, %mul3A_33 : vector<256x1xf32>
    %mul3A_35 = arith.mulf %get3A_28, %get3A_28 : vector<256x1xf32>
    %add3A_36 = arith.addf %add3A_34, %mul3A_35 : vector<256x1xf32>
    %get3A_37 = arith.constant 0 : index
    %get3A_38 = arith.constant 0 : index
    %get3A_39 = arith.constant 0 : index
    %get3A_40 = vector.load %arg7[%get3A_37, %get3A_38, %get3A_39] : memref<1x256x3xf32, #tpu.memory_space<vmem>>, vector<1x256x3xf32>
    %get3A_41 = vector.shape_cast %get3A_40 : vector<1x256x3xf32> to vector<256x3xf32>
    %get3A_42 = arith.constant 0 : index
    %get3A_43 = arith.constant 0 : index
    %get3A_44 = arith.constant 0 : index
    %get3A_45 = vector.load %arg8[%get3A_42, %get3A_43, %get3A_44] : memref<1x3x4096xf32, #tpu.memory_space<vmem>>, vector<1x3x4096xf32>
    %get3A_46 = vector.shape_cast %get3A_45 : vector<1x3x4096xf32> to vector<3x4096xf32>
    %dot_general3A = arith.constant dense<0.000000e+00> : vector<256x4096xf32>
    %dot_general3A_47 = tpu.matmul %get3A_41, %get3A_46, %dot_general3A {dimension_numbers = #tpu.dot_dimension_numbers<[1], [0], [0], [1], [0, 0, 1, 1], [], []>, transpose_lhs_hint = false} : vector<256x3xf32>, vector<3x4096xf32>, vector<256x4096xf32> -> vector<256x4096xf32>
    %add3A_48 = vector.broadcast %add3A_36 : vector<256x1xf32> to vector<256x4096xf32>
    %add3A_49 = vector.broadcast %add3A_31 : vector<1x4096xf32> to vector<256x4096xf32>
    %add3A_50 = arith.addf %add3A_48, %add3A_49 : vector<256x4096xf32>
    %mul3A_51 = arith.constant 2.000000e+00 : f32
    %mul3A_52 = vector.broadcast %mul3A_51 : f32 to vector<256x4096xf32>
    %mul3A_53 = arith.mulf %mul3A_52, %dot_general3A_47 : vector<256x4096xf32>
    %sub3A = arith.subf %add3A_50, %mul3A_53 : vector<256x4096xf32>
    %swap3A = arith.constant 0 : index
    %swap3A_54 = arith.constant 0 : index
    %swap3A_55 = arith.constant 0 : index
    %swap3A_56 = vector.load %arg9[%swap3A, %swap3A_54, %swap3A_55] : memref<1x256x4096xf32, #tpu.memory_space<vmem>>, vector<1x256x4096xf32>
    %swap3A_57 = vector.shape_cast %swap3A_56 : vector<1x256x4096xf32> to vector<256x4096xf32>
    %swap3A_58 = vector.shape_cast %sub3A : vector<256x4096xf32> to vector<1x256x4096xf32>
    tpu.vector_store %arg9[%swap3A, %swap3A_54, %swap3A_55], %swap3A_58 {strides = array<i32>} : memref<1x256x4096xf32, #tpu.memory_space<vmem>>, vector<1x256x4096xf32>,
    return
  }
  func.func @transform_0(%arg0: i32) -> (i32, i32, i32) {
    %c0_i32 = arith.constant 0 : i32
    %c0_i32_0 = arith.constant 0 : i32
    %c0_i32_1 = arith.constant 0 : i32
    return %arg0, %c0_i32, %c0_i32_0 : i32, i32, i32
  }
  func.func @transform_1(%arg0: i32) -> (i32, i32, i32) {
    %c0_i32 = arith.constant 0 : i32
    %c0_i32_0 = arith.constant 0 : i32
    %c0_i32_1 = arith.constant 0 : i32
    return %arg0, %c0_i32, %c0_i32_0 : i32, i32, i32
  }
  func.func @transform_2(%arg0: i32) -> (i32, i32, i32) {
    %c0_i32 = arith.constant 0 : i32
    %c0_i32_0 = arith.constant 0 : i32
    %c0_i32_1 = arith.constant 0 : i32
    return %arg0, %c0_i32, %c0_i32_0 : i32, i32, i32
  }
  func.func @transform_3(%arg0: i32) -> (i32, i32, i32) {
    %c0_i32 = arith.constant 0 : i32
    %c0_i32_0 = arith.constant 0 : i32
    %c0_i32_1 = arith.constant 0 : i32
    return %arg0, %c0_i32, %c0_i32_0 : i32, i32, i32
  }
  func.func @transform_4(%arg0: i32) -> (i32, i32, i32) {
    %c0_i32 = arith.constant 0 : i32
    %c0_i32_0 = arith.constant 0 : i32
    %c0_i32_1 = arith.constant 0 : i32
    return %arg0, %c0_i32, %c0_i32_0 : i32, i32, i32
  }
  func.func @transform_5(%arg0: i32) -> (i32, i32, i32) {
    %c0_i32 = arith.constant 0 : i32
    %c0_i32_0 = arith.constant 0 : i32
    %c0_i32_1 = arith.constant 0 : i32
    return %arg0, %c0_i32, %c0_i32_0 : i32, i32, i32
  }
  func.func @transform_6(%arg0: i32) -> (i32, i32, i32) {
    %c0_i32 = arith.constant 0 : i32
    %c0_i32_0 = arith.constant 0 : i32
    %c0_i32_1 = arith.constant 0 : i32
    return %arg0, %c0_i32, %c0_i32_0 : i32, i32, i32
  }
  func.func @transform_7(%arg0: i32) -> (i32, i32, i32) {
    %c0_i32 = arith.constant 0 : i32
    %c0_i32_0 = arith.constant 0 : i32
    %c0_i32_1 = arith.constant 0 : i32
    return %arg0, %c0_i32, %c0_i32_0 : i32, i32, i32
  }
  func.func @transform_8(%arg0: i32) -> (i32, i32, i32) {
    %c0_i32 = arith.constant 0 : i32
    %c0_i32_0 = arith.constant 0 : i32
    %c0_i32_1 = arith.constant 0 : i32
    return %arg0, %c0_i32, %c0_i32_0 : i32, i32, i32
  }
}

</mosaic_0001>

<sc_bundles>
// kernel: kernel.5.cloned.1.call-start
scs
__scs_entry_jumppad:
0x0: {  	(pc) =	sbr.rel $0x88, $3  }
0x1: {  	(tag) =	ssettag $0x0;
	lr =	simm.s32 $0x1  }
0x2: {  	[smem:$0x3FA0] =	sst lr;
	_ =	strace $0xD0000000  }
0x3: {  	_ = 	snop  }
0x4: {  	_ = 	snop  }
0x5: {  	_ = 	snop  }
0x6: {  	_ = 	snop  }
0x7: {  	_ = 	snop  }
__scs_overlays_trampoline_lowered:
0x8: {  	[smem:$0x3FAF] =	sst s0  }
0x9: {  	[smem:$0x3FB0] =	sst s1  }
0xa: {  	[smem:$0x3FB1] =	sst s2  }
0xb: {  	[smem:$0x3FB2] =	sst s3  }
0xc: {  	[smem:$0x3FB3] =	sst s4  }
0xd: {  	[smem:$0x3FB4] =	sst s5  }
0xe: {  	[smem:$0x3FB5] =	sst s6  }
0xf: {  	[smem:$0x3FB6] =	sst s7  }
0x10: {  	[smem:$0x3FB7] =	sst s8  }
0x11: {  	[smem:$0x3FB8] =	sst s9;
	s0 =	simm.s32 @!p0 $0x0  }
0x12: {  	s1 =	sld [smem:$0x3F9E];
	s0 =	simm.s32 @p0 $0x1  }
0x13: {  	[smem:$0x3FB9] =	sst s0;
	s0 =	simm.s32 @!p1 $0x0  }
0x14: {  	s2 =	sld [smem:$0x3F9D];
	s0 =	simm.s32 @p1 $0x1  }
0x15: {  	[smem:$0x3FBA] =	sst s0;
	s0 =	simm.s32 @!p2 $0x0  }
0x16: {  	s3 =	sld [smem:$0x3FDB];
	s0 =	simm.s32 @p2 $0x1  }
0x17: {  	s4 =	simm.s32 $0x1BF5;
	[smem:$0x3FBC] =	sst s0  }
0x18: {  	s0 =	sld [smem:$0x3F9F];
	_ =	swait.ge [sflag:s4], $0x0  }
0x19: {  	s7 =	sld [smem:$0x3FA0]  }
0x1a: {  	s8 =	sadd.s32 $0xFFFFE003, lr  }
0x1b: {  	s9 =	sadd.s32 $0xFFFFFEF7, lr;
	s5 =	simm.s32 $0xFFFFFFFF;
	p2 =	slt.u32 s8, $0xFFFFF086  }
0x1c: {  	p1 =	slt.u32 s9, $0xF7A;
	s5 =	simm.s32 @!p2 $0x0  }
0x1d: {  	s5 =	simm.s32 @p1 $0x1;
	p0 =	seq.s32 s7, s2  }
0x1e: {  	s7 =	smul.u32 @!p0 $0xF7A, s2;
	p2 =	seq.s32 @!p0 s5, $0x0  }
0x1f: {  	s9 =	smul.u32 $0xF7A, s1;
	s8 =	simm.s32 @!p0 $0x1BF5;
	p2 =	por !p2, p0  }
0x20: {  	[sflag:s8] =	ssyncset.s32 @!p0 $0xFFFFF086;
	s6 =	sadd.s32 @!p0 s3, s7;
	s7 =	simm.s32 @!p0 $0x108  }
0x21: {  	s3 =	sadd.s32 s3, s9;
	s6 =	sadd.s32 @!p0 $0x88, s6;
	s7 =	simm.s32 @p2 $0x1082  }
0x22: {  	[simem:s7], [sflag:s8] =	dma.local @!p0 [hbm:s6], $0xF7A  }
0x23: {  	s9 =	sor.u32 $0xD0000000, s2;
	s6 =	simm.s32 $0x108;
	_ =	swait.ge @!p0 [sflag:s8], $0x0  }
0x24: {  	s3 =	sadd.s32 $0x88, s3;
	s6 =	simm.s32 @!p1 $0x1082;
	[sflag:s4] =	ssyncset.s32 $0xFFFFF086  }
0x25: {  	[simem:s6], [sflag:s4] =	dma.local [hbm:s3], $0xF7A  }
0x26: {  	[smem:$0x3FA0] =	sst s1;
	(tag) =	ssettag s2;
	_ =	strace s9  }
0x27: {  	s1 =	sld [smem:$0x3FB0]  }
0x28: {  	s2 =	sld [smem:$0x3FB1]  }
0x29: {  	s4 =	sld [smem:$0x3FB3]  }
0x2a: {  	p0 =	seq.s32 s5, $0x0;
	s5 =	sld [smem:$0x3FB4]  }
0x2b: {  	s6 =	sld [smem:$0x3FB5]  }
0x2c: {  	s7 =	sld [smem:$0x3FB6]  }
0x2d: {  	s3 =	simm.s32 $0x108;
	s8 =	sld [smem:$0x3FB7]  }
0x2e: {  	s3 =	simm.s32 @!p0 $0x1082;
	s9 =	sld [smem:$0x3FB8]  }
0x2f: {  	lr =	sadd.s32 s0, s3;
	s0 =	sld [smem:$0x3FAF]  }
0x30: {  	s3 =	sld [smem:$0x3FB2]  }
0x31: {  	[smem:$0x3FBB] =	sst s10  }
0x32: {  	s10 =	sld [smem:$0x3FB9];
	_ =	sdelay $0x3  }
0x33: {  	p0 =	seq.s32 s10, $0x1;
	s10 =	sld [smem:$0x3FBB];
	_ =	sdelay $0x3  }
0x34: {  	[smem:$0x3FBB] =	sst s10  }
0x35: {  	s10 =	sld [smem:$0x3FBA];
	_ =	sdelay $0x3  }
0x36: {  	p1 =	seq.s32 s10, $0x1;
	s10 =	sld [smem:$0x3FBB];
	_ =	sdelay $0x3  }
0x37: {  	[smem:$0x3FBB] =	sst s10  }
0x38: {  	s10 =	sld [smem:$0x3FBC]  }
0x39: {  	_ = 	snop;
	(pc) =	sbr.ind lr, $3  }
0x3a: {  	_ = 	snop  }
0x3b: {  	_ = 	snop  }
0x3c: {  	p2 =	seq.s32 s10, $0x1;
	s10 =	sld [smem:$0x3FBB]  }
0x3d: {  	_ =	shalt  }
0x3e: {  	_ =	shalt  }
0x3f: {  	_ =	shalt  }
0x40: {  	_ =	shalt  }
0x41: {  	_ =	shalt  }
0x42: {  	_ =	shalt  }
0x43: {  	_ =	shalt  }
0x44: {  	_ =	shalt  }
0x45: {  	_ =	shalt  }
0x46: {  	_ =	shalt  }
0x47: {  	_ =	shalt  }
0x48: {  	_ =	shalt  }
0x49: {  	_ =	shalt  }
0x4a: {  	_ =	shalt  }
0x4b: {  	_ =	shalt  }
0x4c: {  	_ =	shalt  }
0x4d: {  	_ =	shalt  }
0x4e: {  	_ =	shalt  }
0x4f: {  	_ =	shalt  }
0x50: {  	_ =	shalt  }
0x51: {  	_ =	shalt  }
0x52: {  	_ =	shalt  }
0x53: {  	_ =	shalt  }
0x54: {  	_ =	shalt  }
0x55: {  	_ =	shalt  }
0x56: {  	_ =	shalt  }
0x57: {  	_ =	shalt  }
0x58: {  	_ =	shalt  }
0x59: {  	_ =	shalt  }
0x5a: {  	_ =	shalt  }
0x5b: {  	_ =	shalt  }
0x5c: {  	_ =	shalt  }
0x5d: {  	_ =	shalt  }
0x5e: {  	_ =	shalt  }
0x5f: {  	_ =	shalt  }
0x60: {  	_ =	shalt  }
0x61: {  	_ =	shalt  }
0x62: {  	_ =	shalt  }
0x63: {  	_ =	shalt  }
0x64: {  	_ =	shalt  }
0x65: {  	_ =	shalt  }
0x66: {  	_ =	shalt  }
0x67: {  	_ =	shalt  }
0x68: {  	_ =	shalt  }
0x69: {  	_ =	shalt  }
0x6a: {  	_ =	shalt  }
0x6b: {  	_ =	shalt  }
0x6c: {  	_ =	shalt  }
0x6d: {  	_ =	shalt  }
0x6e: {  	_ =	shalt  }
0x6f: {  	_ =	shalt  }
0x70: {  	_ =	shalt  }
0x71: {  	_ =	shalt  }
0x72: {  	_ =	shalt  }
0x73: {  	_ =	shalt  }
0x74: {  	_ =	shalt  }
0x75: {  	_ =	shalt  }
0x76: {  	_ =	shalt  }
0x77: {  	_ =	shalt  }
0x78: {  	_ =	shalt  }
0x79: {  	_ =	shalt  }
0x7a: {  	_ =	shalt  }
0x7b: {  	_ =	shalt  }
0x7c: {  	_ =	shalt  }
0x7d: {  	_ =	shalt  }
0x7e: {  	_ =	shalt  }
0x7f: {  	_ =	shalt  }
0x80: {  	_ =	shalt  }
0x81: {  	_ =	shalt  }
0x82: {  	_ =	shalt  }
0x83: {  	_ =	shalt  }
0x84: {  	_ =	shalt  }
0x85: {  	_ =	shalt  }
0x86: {  	_ =	shalt  }
0x87: {  	_ =	shalt  }
.Lfunc_end0:
.L_simem_size_0:
called_computation.1_lowered:
.L_overlay_start_0:
0x88: {  	s2 =	sld [smem:$0x3FD9]  }
0x89: {  	s3 =	sld [smem:$0x3FFE];
	_ =	sdelay $0x1  }
0x8a: {  	s1 =	srdreg.scid  }
0x8b: {  	s0 =	sand.u32 $0x1, s1  }
0x8c: {  	s14 =	sshll.u32 s0, $0xA;
	s2 =	sadd.s32 s3, s2  }
0x8d: {  	s2 =	sadd.s32 s2, s14  }
0x8e: {  	[smem:$0x3FC7] =	sst s2  }
0x8f: {  	_ = 	snop  }
0x90: {  	s2 =	sld [smem:$0x3FD0];
	_ =	sdelay $0x2  }
0x91: {  	s15 =	simm.s32 $0xA;
	s4 =	simm.s32 $0x10  }
0x92: {  	[smem:s4], [sflag:s15] =	dma.local [hbm:s2], $0x1  }
0x93: {  	_ =	swait.eq [sflag:s15], $0x1  }
0x94: {  	[sflag:s15] =	ssyncset.done $0x0  }
0x95: {  	[sflag:s15] =	ssyncadd.s32 $0xFFFFFFFF  }
0x96: {  	s16 =	sld [smem:$0x10];
	(tm) =	ssettm $0x1  }
0x97: {  	s17 =	sld [smem:$0x3FFB];
	_ =	sdelay $0x3  }
0x98: {  	_ =	strace s17  }
0x99: {  	s3 =	sld [smem:$0x3FFC];
	_ =	sdelay $0x3  }
0x9a: {  	_ =	strace s3  }
0x9b: {  	s3 =	sld [smem:$0x3FFD];
	_ =	sdelay $0x3  }
0x9c: {  	_ =	strace s3  }
0x9d: {  	_ =	strace $0x8FFFFFFF  }
0x9e: {  	s18 =	sld [smem:$0x3FDB];
	_ =	sdelay $0x1  }
0x9f: {  	s19 =	simm.s32 $_scs_section_size  }
0xa0: {  	s5 =	simm.s32 $_size__tile_overlayer_lowered;
	s6 =	simm.s32 $_tile_overlayer_lowered  }
0xa1: {  	s22 =	simm.s32 $0x1BFF;
	s21 =	sshll.u32 s6, $0x1;
	s3 =	sadd.s32 s19, s18  }
0xa2: {  	s7 =	simm.s32 $0x0;
	s20 =	sshll.u32 s5, $0x1;
	s5 =	sadd.s32 s21, s3  }
0xa3: {  	[timem:s7], [sflag:s22] =	dma.local [hbm:s5], s20  }
0xa4: {  	_ =	swait.ge [sflag:s22], s20  }
0xa5: {  	s4 =	ssub.s32 $0x0, s20;
	[sflag:s22] =	ssyncset.done $0x0  }
0xa6: {  	[sflag:s22] =	ssyncadd.s32 s4;
	_ =	sdelay $0x1  }
0xa7: {  	s23 =	simm.s32 $0x1B8B  }
0xa8: {  	_ =	swait.ge [sflag:s23], $0x1  }
0xa9: {  	[sflag:s23] =	ssyncset.done $0x0  }
0xaa: {  	s25 =	simm.s32 $0x1B8E;
	s24 =	sld [smem:$0x3FFE];
	[sflag:s23] =	ssyncadd.s32 $0xFFFFFFFF  }
0xab: {  	s26 =	simm.s32 $execute0_lowered;
	[smem:$0x3FD2] =	sst s25  }
0xac: {  	s5 =	sshll.u32 s26, $0x1;
	_ =	strace $0x80000049;
	[dreg:$0x1] =	wrdreg $0xFFFFFFFF  }
0xad: {  	s28 =	simm.s32 $_size_execute0_lowered;
	s3 =	sadd.s32 s3, s5;
	[dreg:$0x0] =	wrdreg $0x0  }
0xae: {  	s5 =	sshll.u32 s28, $0x1;
	[dreg:$0x2] =	wrdreg s3  }
0xaf: {  	[dreg:$0x3] =	wrdreg s5  }
0xb0: {  	[dreg:$0x4] =	wrdreg $0xC0  }
0xb1: {  	_ =	task [dreg:s7], $0x5FFFF  }
0xb2: {  	[dreg:$0x1] =	wrdreg $0xFFFFFFFF  }
0xb3: {  	[dreg:$0x0] =	wrdreg $0x60  }
0xb4: {  	[dreg:$0x2] =	wrdreg s24  }
0xb5: {  	[dreg:$0x3] =	wrdreg s16  }
0xb6: {  	[dreg:$0x4] =	wrdreg $0x9  }
0xb7: {  	_ =	task.clear_ibuf [dreg:s7], $0x5FFFF;
	_ =	strace $0x90000049  }
0xb8: {  	s29 =	simm.s32 $0x9;
	_ =	strace $0x8000004B  }
0xb9: {  	_ =	swait.ge [sflag:s29], $0x1  }
0xba: {  	[sflag:s29] =	ssyncadd.s32 $0xFFFFFFFF  }
0xbb: {  	_ =	strace $0x9000004B  }
0xbc: {  	_ =	sfence  }
0xbd: {  	s30 =	sld [smem:$0x0];
	_ =	sdelay $0x2  }
0xbe: {  	s31 =	sshll.u32 s1, $0xD;
	s1 =	sshrl.u32 s1, $0x2  }
0xbf: {  	s3 =	sand.u32 $0x4000, s31;
	s1 =	sadd.s32 s1, s30  }
0xc0: {  	s0 =	sor.u32 s3, s0;
	s1 =	sshll.u32 s1, $0x11  }
0xc1: {  	s0 =	sor.u32 s1, s0  }
0xc2: {  	s0 =	sadd.s32 $0x8F2B, s0  }
0xc3: {  	[sflag:s0] =	ssyncadd.remote.s32 $0x1  }
0xc4: {  	_ =	sfence.sel $0xFFFF  }
0xc5: {  	[dreg:$0x0] =	wrdreg $0xFFFFFFFF;
	(pc) =	sbr.abs _section_cstart, $3  }
0xc6: {  	[dreg:$0x1] =	wrdreg $0xFFFFFFFF  }
0xc7: {  	_ =	task.clear_ibuf [dreg:s7], $0x2FFFF;
	_ =	strace $0x9FFFFFFF  }
0xc8: {  	(tm) =	ssettm $0x7FFFFFFF  }
0xc9: {  	_ =	shalt  }
tec
execute0_lowered:
.L_overlay_start_1:
0x0: {  	(tag) =	ssettag $0x1  }
0x1: {  	s3 =	rddreg [dreg:$0x0]  }
0x2: {  	s4 =	rddreg [dreg:$0x1]  }
0x3: {  	s0 =	rddreg [dreg:$0x2]  }
0x4: {  	s5 =	srdreg.scid;
	s1 =	stileid.u32  }
0x5: {  	s2 =	simm.s32 $0x0;
	s5 =	sand.u32 $0x1, s5;
	s6 =	sshll.u32 s1, $0x1  }
0x6: {  	[smem:$0x7FF] =	sst s2;
	s6 =	sor.u32 s5, s6;
	s5 =	ssub.s32 $0x2, s5  }
0x7: {  	_ =	strace $0x8000004A;
	s7 =	sshll.u32 s6, $0x10;
	s8 =	sshrl.u32 s5, $0x1  }
0x8: {  	s6 =	sshll.u32 s6, $0x9;
	s3 =	sadd.s32 s7, s3;
	s5 =	ssub.s32 s5, s8  }
0x9: {  	s4 =	sadd.s32 s4, s6;
	s6 =	simm.s32 $0x1;
	s7 =	simm.s32 $0x1180  }
0xa: {  	v0 =	vlaneseq.u32;
	s8 =	simm.s32 $0x0;
	s3 =	sadd.s32 $0x201000, s3;
	s5 =	smax.u32 s5, $0x1  }
.LBB2_1:
0xb: {  	s9 =	simm.s32 $0x0  }
.LBB2_2:
0xc: {  	s10 =	sshll.u32 s9, $0x9  }
0xd: {  	s11 =	sadd.s32 s10, s3;
	s10 =	simm.s32 $0x0  }
0xe: {  	[tilespmem:s10], [sflag:$0x1] =	stream.linear.gather [hbm4b:s11+s10], $0x1000, $0x38;
	[tilespmem:$0x2180] =	vst v63  }
0xf: {  	_ =	swait.ge [sflag:s6], $0x1000  }
0x10: {  	[sflag:s6] =	ssyncset.done $0x0  }
0x11: {  	s11 =	simm.s32 $0x0;
	[sflag:s6] =	ssyncadd.s32 $0xFFFFF000  }
.LBB2_3:
0x12: {  	s12 =	sshll.u32 s11, $0x8  }
0x13: {  	s13 =	sand.u32 $0x80, s10;
	s12 =	sand.u32 $0x3FFFFF00, s12  }
0x14: {  	s14 =	sand.u32 $0x70, s10;
	s13 =	sadd.s32 s13, s12  }
0x15: {  	s13 =	sadd.s32 s14, s13  }
0x16: {  	v2 =	vld [tilespmem:s13+$0x0];
	_ =	sdelay $0x1  }
0x17: {  	s30 =	simm.s32 $0x10  }
0x18: {  	s31 =	sand.u32 $0x80, s30  }
0x19: {  	s15 =	sand.u32 $0x70, s30;
	s14 =	sadd.s32 s31, s12  }
0x1a: {  	s15 =	sadd.s32 s15, s14;
	(xrf0) =	vmin.scan.msk.f32 $0xffff, v2  }
0x1b: {  	s16 =	simm.s32 $0x20;
	v2 =	vld [tilespmem:s15+$0x0]  }
0x1c: {  	v1 =	vimm.f32 $1.000000020e+30;
	s13 =	simm.s32 $0x1;
	s14 =	simm.s32 $0x2;
	s15 =	simm.s32 $0x0  }
.LBB2_4:
0x1d: {  	s17 =	sand.u32 $0x80, s16  }
0x1e: {  	p0 =	sne.s32 s14, $0xF;
	s18 =	smov.u32 s14;
	s14 =	sadd.s32 $0x1, s14  }
.Ltmp0:
0x1f: {  	s19 =	sand.u32 $0x70, s16;
	s17 =	sadd.s32 s17, s12;
	(pc) =	sbr.rel @p0 .LBB2_4-.Ltmp0, $4  }
0x20: {  	s17 =	sadd.s32 s19, s17;
	(xrf0) =	vmin.scan.msk.f32 $0xffff, v2;
	v3, _, _ =	vpop (xrf0)  }
0x21: {  	v4 =	vmov s15;
	s15 =	smov.u32 s13;
	s13 =	smov.u32 s18;
	v2 =	vld [tilespmem:s17+$0x0];
	v3 =	vbroadcast v3, $0xF  }
0x22: {  	vm0 =	veq.s32 v4, v0  }
0x23: {  	s16 =	sadd.s32 $0x10, s16;
	v1 =	vsel vm0, v3, v1  }
0x24: {  	_ =	sdelay $0x1  }
0x25: {  	(xrf0) =	vmin.scan.msk.f32 $0xffff, v2;
	_ =	sdelay $0x4  }
0x26: {  	v2, _, _ =	vpop (xrf0)  }
0x27: {  	v3 =	vmov s15;
	v2 =	vbroadcast v2, $0xF;
	v4, _, _ =	vpop (xrf0)  }
0x28: {  	vm0 =	veq.s32 v3, v0;
	v3 =	vmov s13;
	v4 =	vbroadcast v4, $0xF  }
0x29: {  	vm14 =	veq.s32 v3, v0;
	v1 =	vsel vm0, v2, v1  }
0x2a: {  	v1 =	vsel vm14, v4, v1  }
0x2b: {  	(xrf0) =	vmin.scan.msk.f32 $0xffff, v1  }
0x2c: {  	s12 =	sshll.u32 s11, $0x4  }
0x2d: {  	s12 =	sand.u32 $0x3FFFFFF0, s12  }
0x2e: {  	[tilespmem:s12+$0x1000] =	vst v1  }
0x2f: {  	v3 =	vmov s11;
	s11 =	sadd.s32 $0x1, s11;
	v1 =	vld [tilespmem:$0x1100]  }
0x30: {  	p0 =	seq.s32 s11, $0x10  }
.Ltmp1:
0x31: {  	v2, _, _ =	vpop (xrf0);
	(pc) =	sbr.rel @!p0 .LBB2_3-.Ltmp1, $4  }
0x32: {  	v2 =	vbroadcast v2, $0xF  }
0x33: {  	vm15 =	veq.s32 v3, v0  }
0x34: {  	v2 =	vsel vm15, v2, v1  }
0x35: {  	[tilespmem:$0x1100] =	vst v2  }
0x36: {  	(xrf0) =	vmin.scan.msk.f32 $0xffff, v2;
	_ =	sdelay $0x5  }
0x37: {  	v3, _, _ =	vpop (xrf0)  }
0x38: {  	v3 =	vbroadcast v3, $0xF;
	_ =	sdelay $0x1  }
0x39: {  	vm0 =	veq.f32 v2, v3  }
0x3a: {  	v2 =	vmctz.xlane vm0;
	_ =	sdelay $0x1  }
0x3b: {  	v2 =	vxor.u32 $0x80000000, v2  }
0x3c: {  	(xrf0) =	vmin.scan.msk.u32 $0xffff, v2;
	_ =	sdelay $0x5  }
0x3d: {  	v2, _, _ =	vpop (xrf0)  }
0x3e: {  	(v2sf) =	vpush v2, $0xF;
	_ =	sdelay $0xe  }
0x3f: {  	s29 =	spop (v2sf)  }
0x40: {  	s12 =	sshll.u32 s29, $0x4  }
0x41: {  	v2 =	vld [tilespmem:s12+$0x1000];
	_ =	sdelay $0x4  }
0x42: {  	vm10 =	veq.f32 v2, v3  }
0x43: {  	v4 =	vmctz.xlane vm10;
	_ =	sdelay $0x1  }
0x44: {  	v4 =	vxor.u32 $0x80000000, v4  }
0x45: {  	(xrf0) =	vmin.scan.msk.u32 $0xffff, v4;
	_ =	sdelay $0x5  }
0x46: {  	v4, _, _ =	vpop (xrf0)  }
0x47: {  	(v2sf) =	vpush v4, $0xF;
	_ =	sdelay $0xe  }
0x48: {  	s13 =	spop (v2sf)  }
0x49: {  	s14 =	sadd.s32 s12, s13  }
0x4a: {  	s14 =	sshll.u32 s14, $0x4  }
0x4b: {  	v61 =	vld [tilespmem:s14+$0x0];
	_ =	sdelay $0x4  }
0x4c: {  	vm11 =	veq.f32 v61, v3  }
0x4d: {  	v3 =	vmctz.xlane vm11;
	_ =	sdelay $0x1  }
0x4e: {  	v3 =	vxor.u32 $0x80000000, v3  }
0x4f: {  	(xrf0) =	vmin.scan.msk.u32 $0xffff, v3;
	_ =	sdelay $0x5  }
0x50: {  	v3, _, _ =	vpop (xrf0)  }
0x51: {  	(v2sf) =	vpush v3, $0xF;
	_ =	sdelay $0xe  }
0x52: {  	s15 =	spop (v2sf)  }
0x53: {  	s15 =	sxor.u32 $0x80000000, s15  }
0x54: {  	s10 =	sshll.u32 s9, $0x5;
	v3 =	vmov s15  }
0x55: {  	s10 =	sand.u32 $0x3FFFFFE0, s10;
	vm12 =	veq.s32 v3, v0  }
0x56: {  	s11 =	sadd.s32 $0x1180, s10;
	v3 =	vsel vm12, $0x7149F2CA, v61  }
0x57: {  	v1 =	vmov s11;
	(xrf0) =	vmin.scan.msk.f32 $0xffff, v3;
	_ =	sdelay $0x1  }
0x58: {  	s10 =	simm.s32 $0x0  }
0x59: {  	s16 =	sand.u32 $0x40, s10  }
0x5a: {  	s16 =	sshrl.u32 s16, $0x2  }
0x5b: {  	v62 =	vld.idx.msk [tilespmem:v1+s16+$0x0 ss:$0x1], $0xffff  }
0x5c: {  	s13 =	sxor.u32 $0x80000000, s13;
	v5, _, _ =	vpop (xrf0)  }
0x5d: {  	s30 =	sand.u32 $0xF, s10;
	v6 =	vmov s13;
	v5 =	vbroadcast v5, $0xF  }
0x5e: {  	v7 =	vmov s30;
	vm13 =	veq.s32 v6, v0  }
0x5f: {  	vm14 =	veq.s32 v7, v0;
	s31 =	sadd.s32 s14, s15;
	v2 =	vsel vm13, v5, v2  }
0x60: {  	v4 =	vsel vm14, s31, v62;
	(xrf0) =	vmin.scan.msk.f32 $0xffff, v2  }
0x61: {  	[tilespmem:v1+s16+$0x0 ss:$0x1] =	vst.idx.msk $0xffff, v4  }
0x62: {  	[tilespmem:s14+$0x0] =	vst v3  }
0x63: {  	[tilespmem:s12+$0x1000] =	vst v2  }
0x64: {  	v2 =	vld [tilespmem:$0x1100];
	_ =	sdelay $0x1  }
0x65: {  	s11 =	sxor.u32 $0x80000000, s29;
	v3, _, _ =	vpop (xrf0)  }
0x66: {  	v63 =	vmov s11;
	v3 =	vbroadcast v3, $0xF  }
0x67: {  	vm15 =	veq.s32 v63, v0  }
0x68: {  	s11 =	simm.s32 $0x1;
	s12 =	simm.s32 $0x2;
	v2 =	vsel vm15, v3, v2  }
.LBB2_7:
0x69: {  	p0 =	sne.s32 s12, $0x1F  }
0x6a: {  	(xrf0) =	vmin.scan.msk.f32 $0xffff, v2;
	[tilespmem:$0x1100] =	vst v2;
	s10 =	sadd.s32 $0x4, s10;
	s13 =	smov.u32 s12;
	s12 =	sadd.s32 $0x1, s12  }
0x6b: {  	_ =	sdelay $0x4  }
0x6c: {  	v3, _, _ =	vpop (xrf0)  }
0x6d: {  	v3 =	vbroadcast v3, $0xF;
	_ =	sdelay $0x1  }
0x6e: {  	vm0 =	veq.f32 v2, v3  }
0x6f: {  	v2 =	vmctz.xlane vm0;
	_ =	sdelay $0x1  }
0x70: {  	v2 =	vxor.u32 $0x80000000, v2  }
0x71: {  	(xrf0) =	vmin.scan.msk.u32 $0xffff, v2;
	_ =	sdelay $0x5  }
0x72: {  	v2, _, _ =	vpop (xrf0)  }
0x73: {  	(v2sf) =	vpush v2, $0xF;
	_ =	sdelay $0xe  }
0x74: {  	s14 =	spop (v2sf)  }
0x75: {  	s15 =	sxor.u32 $0x80000000, s14;
	s14 =	sshll.u32 s14, $0x4  }
0x76: {  	v4 =	vld [tilespmem:s14+$0x1000];
	v2 =	vmov s15;
	_ =	sdelay $0x4  }
0x77: {  	vm0 =	veq.f32 v4, v3  }
0x78: {  	v5 =	vmctz.xlane vm0;
	_ =	sdelay $0x1  }
0x79: {  	v5 =	vxor.u32 $0x80000000, v5  }
0x7a: {  	(xrf0) =	vmin.scan.msk.u32 $0xffff, v5;
	_ =	sdelay $0x5  }
0x7b: {  	v5, _, _ =	vpop (xrf0)  }
0x7c: {  	(v2sf) =	vpush v5, $0xF;
	_ =	sdelay $0xe  }
0x7d: {  	s15 =	spop (v2sf)  }
0x7e: {  	s16 =	sxor.u32 $0x80000000, s15;
	s15 =	sadd.s32 s14, s15  }
0x7f: {  	s15 =	sshll.u32 s15, $0x4;
	v5 =	vmov s16  }
0x80: {  	v6 =	vld [tilespmem:s15+$0x0];
	_ =	sdelay $0x4  }
0x81: {  	vm0 =	veq.f32 v6, v3  }
0x82: {  	v3 =	vmctz.xlane vm0;
	_ =	sdelay $0x1  }
0x83: {  	v3 =	vxor.u32 $0x80000000, v3  }
0x84: {  	(xrf0) =	vmin.scan.msk.u32 $0xffff, v3;
	_ =	sdelay $0x5  }
0x85: {  	v3, _, _ =	vpop (xrf0)  }
0x86: {  	(v2sf) =	vpush v3, $0xF;
	_ =	sdelay $0x9  }
0x87: {  	s16 =	sand.u32 $0x40, s10  }
0x88: {  	s16 =	sshrl.u32 s16, $0x2  }
0x89: {  	v3 =	vld.idx.msk [tilespmem:v1+s16+$0x0 ss:$0x1], $0xffff;
	_ =	sdelay $0x2  }
0x8a: {  	s17 =	sand.u32 $0xF, s11;
	s11 =	smov.u32 s13;
	s18 =	spop (v2sf)  }
0x8b: {  	v7 =	vmov s17;
	s13 =	sxor.u32 $0x80000000, s18  }
0x8c: {  	vm0 =	veq.s32 v7, v0;
	s17 =	sadd.s32 s15, s13;
	v7 =	vmov s13  }
0x8d: {  	v3 =	vsel vm0, s17, v3;
	vm0 =	veq.s32 v7, v0  }
0x8e: {  	v6 =	vsel vm0, $0x7149F2CA, v6  }
0x8f: {  	(xrf0) =	vmin.scan.msk.f32 $0xffff, v6;
	_ =	sdelay $0x5  }
0x90: {  	v7, _, _ =	vpop (xrf0)  }
0x91: {  	v7 =	vbroadcast v7, $0xF  }
0x92: {  	vm0 =	veq.s32 v5, v0;
	[tilespmem:v1+s16+$0x0 ss:$0x1] =	vst.idx.msk $0xffff, v3  }
0x93: {  	[tilespmem:s15+$0x0] =	vst v6;
	v3 =	vsel vm0, v7, v4  }
0x94: {  	[tilespmem:s14+$0x1000] =	vst v3;
	(xrf0) =	vmin.scan.msk.f32 $0xffff, v3;
	_ =	sdelay $0x3  }
0x95: {  	v3 =	vld [tilespmem:$0x1100]  }
.Ltmp2:
0x96: {  	(pc) =	sbr.rel @p0 .LBB2_7-.Ltmp2, $4  }
0x97: {  	v4, _, _ =	vpop (xrf0)  }
0x98: {  	v4 =	vbroadcast v4, $0xF  }
0x99: {  	vm0 =	veq.s32 v2, v0  }
0x9a: {  	v2 =	vsel vm0, v4, v3  }
0x9b: {  	(xrf0) =	vmin.scan.msk.f32 $0xffff, v2;
	_ =	sdelay $0x5  }
0x9c: {  	v3, _, _ =	vpop (xrf0)  }
0x9d: {  	v3 =	vbroadcast v3, $0xF;
	_ =	sdelay $0x1  }
0x9e: {  	vm0 =	veq.f32 v2, v3  }
0x9f: {  	v4 =	vmctz.xlane vm0;
	_ =	sdelay $0x1  }
0xa0: {  	v4 =	vxor.u32 $0x80000000, v4  }
0xa1: {  	(xrf0) =	vmin.scan.msk.u32 $0xffff, v4;
	_ =	sdelay $0x5  }
0xa2: {  	v4, _, _ =	vpop (xrf0)  }
0xa3: {  	(v2sf) =	vpush v4, $0xF;
	_ =	sdelay $0xe  }
0xa4: {  	s12 =	spop (v2sf)  }
0xa5: {  	[tilespmem:$0x1100] =	vst v2;
	s13 =	sshll.u32 s12, $0x4  }
0xa6: {  	v2 =	vld [tilespmem:s13+$0x1000];
	_ =	sdelay $0x4  }
0xa7: {  	vm10 =	veq.f32 v2, v3  }
0xa8: {  	v61 =	vmctz.xlane vm10;
	_ =	sdelay $0x1  }
0xa9: {  	v4 =	vxor.u32 $0x80000000, v61  }
0xaa: {  	(xrf0) =	vmin.scan.msk.u32 $0xffff, v4;
	_ =	sdelay $0x5  }
0xab: {  	v4, _, _ =	vpop (xrf0)  }
0xac: {  	(v2sf) =	vpush v4, $0xF;
	_ =	sdelay $0xe  }
0xad: {  	s14 =	spop (v2sf)  }
0xae: {  	s15 =	sadd.s32 s13, s14  }
0xaf: {  	s15 =	sshll.u32 s15, $0x4  }
0xb0: {  	v62 =	vld [tilespmem:s15+$0x0];
	_ =	sdelay $0x4  }
0xb1: {  	vm11 =	veq.f32 v62, v3  }
0xb2: {  	v3 =	vmctz.xlane vm11;
	_ =	sdelay $0x1  }
0xb3: {  	v3 =	vxor.u32 $0x80000000, v3  }
0xb4: {  	(xrf0) =	vmin.scan.msk.u32 $0xffff, v3;
	_ =	sdelay $0x5  }
0xb5: {  	v3, _, _ =	vpop (xrf0)  }
0xb6: {  	(v2sf) =	vpush v3, $0xF;
	_ =	sdelay $0xe  }
0xb7: {  	s16 =	spop (v2sf)  }
0xb8: {  	s16 =	sxor.u32 $0x80000000, s16  }
0xb9: {  	v3 =	vmov s16  }
0xba: {  	vm12 =	veq.s32 v3, v0  }
0xbb: {  	v3 =	vsel vm12, $0x7149F2CA, v62  }
0xbc: {  	(xrf0) =	vmin.scan.msk.f32 $0xffff, v3;
	_ =	sdelay $0x1  }
0xbd: {  	s10 =	sadd.s32 $0x4, s10  }
0xbe: {  	s10 =	sand.u32 $0x40, s10  }
0xbf: {  	s10 =	sshrl.u32 s10, $0x2  }
0xc0: {  	v63 =	vld.idx.msk [tilespmem:v1+s10+$0x0 ss:$0x1], $0xffff  }
0xc1: {  	s14 =	sxor.u32 $0x80000000, s14;
	v5, _, _ =	vpop (xrf0)  }
0xc2: {  	s11 =	sand.u32 $0xF, s11;
	v6 =	vmov s14;
	v5 =	vbroadcast v5, $0xF  }
0xc3: {  	v7 =	vmov s11;
	vm13 =	veq.s32 v6, v0  }
0xc4: {  	vm14 =	veq.s32 v7, v0;
	s30 =	sadd.s32 s15, s16;
	v2 =	vsel vm13, v5, v2  }
0xc5: {  	v4 =	vsel vm14, s30, v63;
	(xrf0) =	vmin.scan.msk.f32 $0xffff, v2  }
0xc6: {  	[tilespmem:v1+s10+$0x0 ss:$0x1] =	vst.idx.msk $0xffff, v4  }
0xc7: {  	[tilespmem:s15+$0x0] =	vst v3  }
0xc8: {  	[tilespmem:s13+$0x1000] =	vst v2  }
0xc9: {  	s9 =	sadd.s32 $0x1, s9;
	v1 =	vld [tilespmem:$0x1100]  }
0xca: {  	p0 =	sne.s32 s9, $0x80  }
.Ltmp3:
0xcb: {  	s31 =	sxor.u32 $0x80000000, s12;
	v2, _, _ =	vpop (xrf0);
	(pc) =	sbr.rel @p0 .LBB2_2-.Ltmp3, $4  }
0xcc: {  	v3 =	vmov s31;
	v2 =	vbroadcast v2, $0xF  }
0xcd: {  	vm15 =	veq.s32 v3, v0  }
0xce: {  	v1 =	vsel vm15, v2, v1  }
0xcf: {  	[tilespmem:$0x1100] =	vst v1  }
0xd0: {  	s8 =	sadd.s32 $0x1, s8  }
0xd1: {  	p0 =	sne.s32 s8, s5  }
.Ltmp4:
0xd2: {  	_ = 	snop;
	(pc) =	sbr.rel @p0 .LBB2_1-.Ltmp4, $4  }
0xd3: {  	[hbm4b:s4+s2] =	stream.linear.scatter [tilespmem:s7], [sflag:$0x1], $0x1000, $0x38;
	[tilespmem:$0x2180] =	vst v63  }
0xd4: {  	_ =	swait.ge [sflag:s6], $0x1000  }
0xd5: {  	[sflag:s6] =	ssyncset.done $0x0  }
0xd6: {  	[sflag:s6] =	ssyncadd.s32 $0xFFFFF000  }
0xd7: {  	_ =	sfence.sel $0x180000  }
0xd8: {  	[bflag:$0x0] =	sbarrier.arrive $0xFFFF  }
0xd9: {  	p0 =	sne.s32 s1, $0x0;
	_ =	strace $0x9000004A  }
0xda: {  	s0 =	sadd.s32 @!p0 $0x100000, s0;
	[bflag:$0x2] =	sbarrier.arrive $0xFFFF  }
0xdb: {  	[sflag:s0] =	ssyncadd.tile.s32 @!p0 $0x1;
	_ =	shalt  }
.Lfunc_end2:
_tile_overlayer_lowered:
.L_overlay_start_2:
0xdc: {  	(tag) =	ssettag $0x2  }
0xdd: {  	s0 =	rddreg [dreg:$0x0];
	s2 =	stileid.u32  }
0xde: {  	s1 =	rddreg [dreg:$0x1];
	p0 =	sne.s32 s2, $0x0  }
0xdf: {  	s3 =	rddreg [dreg:$0x2];
	[bflag:$0x3] =	sbarrier.arrive $0xFFFF;
	s2 =	simm.s32 @!p0 $0x1C01  }
0xe0: {  	[timem:s3], [sflag:s2] =	dma.local @!p0 [hbm:s0], s1  }
0xe1: {  	s0 =	simm.s32 @!p0 $0x1  }
0xe2: {  	_ =	swait.ge @!p0 [sflag:s0], s1  }
0xe3: {  	s1 =	ssub.s32 @!p0 $0x0, s1;
	[sflag:s0] =	ssyncset.done @!p0 $0x0  }
0xe4: {  	[sflag:s0] =	ssyncadd.s32 @!p0 s1  }
0xe5: {  	[bflag:$0x3] =	sbarrier.arrive $0xFFFF  }
0xe6: {  	_ =	shalt  }

// kernel: sparse-core-data-format-call.cloned.1.call-start
scs
called_computation_lowered:
.L_overlay_start_0:
0x0: {  	s1 =	sld [smem:$0x3FD9]  }
0x1: {  	s2 =	sld [smem:$0x3FFE];
	_ =	sdelay $0x1  }
0x2: {  	s3 =	srdreg.scid  }
0x3: {  	s0 =	sand.u32 $0x1, s3  }
0x4: {  	s17 =	sshll.u32 s0, $0xA;
	s1 =	sadd.s32 s2, s1  }
0x5: {  	s1 =	sadd.s32 s1, s17  }
0x6: {  	[smem:$0x3FC7] =	sst s1  }
0x7: {  	_ = 	snop  }
0x8: {  	(tm) =	ssettm $0x1  }
0x9: {  	s18 =	sld [smem:$0x3FFB];
	_ =	sdelay $0x3  }
0xa: {  	_ =	strace s18  }
0xb: {  	s1 =	sld [smem:$0x3FFC];
	_ =	sdelay $0x3  }
0xc: {  	_ =	strace s1  }
0xd: {  	s1 =	sld [smem:$0x3FFD];
	_ =	sdelay $0x3  }
0xe: {  	_ =	strace s1  }
0xf: {  	_ =	strace $0x8FFFFFFF  }
0x10: {  	s19 =	sld [smem:$0x3FDB];
	_ =	sdelay $0x1  }
0x11: {  	s20 =	simm.s32 $_scs_section_size  }
0x12: {  	s4 =	simm.s32 $_size__tile_overlayer_lowered;
	s5 =	simm.s32 $_tile_overlayer_lowered  }
0x13: {  	s23 =	simm.s32 $0x1BFF;
	s22 =	sshll.u32 s5, $0x1;
	s1 =	sadd.s32 s20, s19  }
0x14: {  	s6 =	simm.s32 $0x0;
	s21 =	sshll.u32 s4, $0x1;
	s4 =	sadd.s32 s22, s1  }
0x15: {  	[timem:s6], [sflag:s23] =	dma.local [hbm:s4], s21  }
0x16: {  	_ =	swait.ge [sflag:s23], s21  }
0x17: {  	s2 =	ssub.s32 $0x0, s21;
	[sflag:s23] =	ssyncset.done $0x0  }
0x18: {  	[sflag:s23] =	ssyncadd.s32 s2;
	_ =	sdelay $0x1  }
0x19: {  	s24 =	simm.s32 $0x1B8B  }
0x1a: {  	_ =	swait.ge [sflag:s24], $0x1  }
0x1b: {  	[sflag:s24] =	ssyncset.done $0x0  }
0x1c: {  	s26 =	simm.s32 $0x1B8E;
	s25 =	sld [smem:$0x3FFE];
	[sflag:s24] =	ssyncadd.s32 $0xFFFFFFFF  }
0x1d: {  	s27 =	simm.s32 $execute0_lowered;
	[smem:$0x3FD2] =	sst s26  }
0x1e: {  	s4 =	sshll.u32 s27, $0x1;
	_ =	strace $0x80000046;
	[dreg:$0x1] =	wrdreg $0xFFFFFFFF  }
0x1f: {  	s28 =	simm.s32 $_size_execute0_lowered;
	s1 =	sadd.s32 s1, s4;
	[dreg:$0x0] =	wrdreg $0x0  }
0x20: {  	s4 =	sshll.u32 s28, $0x1;
	[dreg:$0x2] =	wrdreg s1  }
0x21: {  	[dreg:$0x3] =	wrdreg s4  }
0x22: {  	[dreg:$0x4] =	wrdreg $0xC0  }
0x23: {  	_ =	task [dreg:s6], $0x5FFFF  }
0x24: {  	[dreg:$0x1] =	wrdreg $0xFFFFFFFF  }
0x25: {  	[dreg:$0x0] =	wrdreg $0x60  }
0x26: {  	[dreg:$0x2] =	wrdreg s25  }
0x27: {  	[dreg:$0x3] =	wrdreg $0x9  }
0x28: {  	_ =	task.clear_ibuf [dreg:s6], $0x4FFFF;
	_ =	strace $0x90000046  }
0x29: {  	s29 =	simm.s32 $0x9;
	_ =	strace $0x80000048  }
0x2a: {  	_ =	swait.ge [sflag:s29], $0x1  }
0x2b: {  	[sflag:s29] =	ssyncadd.s32 $0xFFFFFFFF  }
0x2c: {  	_ =	strace $0x90000048  }
0x2d: {  	_ =	sfence  }
0x2e: {  	s30 =	sld [smem:$0x0];
	_ =	sdelay $0x2  }
0x2f: {  	s31 =	sshll.u32 s3, $0xD;
	s3 =	sshrl.u32 s3, $0x2  }
0x30: {  	s2 =	sand.u32 $0x4000, s31;
	s1 =	sadd.s32 s3, s30  }
0x31: {  	s0 =	sor.u32 s2, s0;
	s1 =	sshll.u32 s1, $0x11  }
0x32: {  	s0 =	sor.u32 s1, s0  }
0x33: {  	s0 =	sadd.s32 $0x8F2B, s0  }
0x34: {  	[sflag:s0] =	ssyncadd.remote.s32 $0x1  }
0x35: {  	_ =	sfence.sel $0xFFFF  }
0x36: {  	[dreg:$0x0] =	wrdreg $0xFFFFFFFF;
	(pc) =	sbr.abs _section_cstart, $3  }
0x37: {  	[dreg:$0x1] =	wrdreg $0xFFFFFFFF  }
0x38: {  	_ =	task.clear_ibuf [dreg:s6], $0x2FFFF;
	_ =	strace $0x9FFFFFFF  }
0x39: {  	(tm) =	ssettm $0x7FFFFFFF  }
tec
execute0_lowered:
.L_overlay_start_1:
0x0: {  	(tag) =	ssettag $0x1  }
0x1: {  	s1 =	rddreg [dreg:$0x0]  }
0x2: {  	s0 =	rddreg [dreg:$0x1]  }
0x3: {  	_ =	strace $0x80000047;
	s4 =	srdreg.scid;
	s6 =	simm.s32 $0x2  }
0x4: {  	s11 =	simm.s32 $0x0;
	p0 =	por $0x0, $0x0;
	s7 =	simm.s32 $0x1000  }
.Ltmp0:
0x5: {  	s12 =	simm.s32 $0x0;
	s9 =	simm.s32 $0x0;
	(pc) =	sbr.rel .LBB1_1-.Ltmp0, $4  }
0x6: {  	s2 =	sadd.s32 $0x1000, s1;
	s3 =	sadd.s32 $0x201000, s1;
	s5 =	sshll.u32 s4, $0x4  }
0x7: {  	s1 =	stileid.u32;
	s4 =	simm.s32 $0x1;
	s5 =	sand.u32 $0x10, s5  }
0x8: {  	s8 =	simm.s32 $0x0;
	[sflag:s4] =	ssyncpa.u1 $0x0;
	s5 =	sor.u32 s1, s5  }
0x9: {  	[sflag:s6] =	ssyncpa.u1 $0x0;
	s6 =	simm.s32 $0x800;
	s10 =	smov.u32 s5  }
.LBB1_7:
0xa: {  	s13 =	sadd.s32 $0x10, s9  }
0xb: {  	s11 =	sadd.s32 $0x20, s10;
	s15 =	smov.u32 s10;
	p2 =	sgt.s32 s13, $0x1F  }
0xc: {  	p1 =	slt.u32 s8, $0x2;
	s15 =	smov.u32 @p2 s11  }
0xd: {  	s8 =	sadd.s32 $0x1, s8;
	s13 =	simm.s32 @p2 $0x0;
	p2 =	sgt.s32 s15, $0x1FF  }
0xe: {  	s15 =	smov.u32 @p2 s5;
	p2 =	sne.s32 s8, $0x22  }
.Ltmp1:
0xf: {  	_ = 	snop;
	(pc) =	sbr.rel @!p2 .LBB1_8-.Ltmp1, $4  }
0x10: {  	s14 =	simm.s32 @!p1 $0x2  }
0x11: {  	s12 =	smov.u32 s10;
	_ =	swait.ge @!p1 [sflag:s14], $0x4000  }
0x12: {  	p0 =	por !p0, !p0;
	s11 =	smov.u32 s9;
	[sflag:s14] =	ssyncset.done @!p1 $0x0  }
0x13: {  	s9 =	smov.u32 s13;
	[sflag:s14] =	ssyncadd.s32 @!p1 $0xFFFFC000;
	s10 =	smov.u32 s15  }
.LBB1_1:
0x14: {  	p1 =	sgt.u32 s8, $0x1F  }
0x15: {  	s13 =	sxor.u32 @!p1 $0xFFFFFFFF, s8;
	s14 =	sshll.u32 @!p1 s10, $0xC  }
0x16: {  	s15 =	sshll.u32 @!p1 s9, $0x7;
	s13 =	sshll.u32 @!p1 s13, $0xE;
	s14 =	sadd.s32 @!p1 s2, s14  }
0x17: {  	s13 =	sand.u32 @!p1 $0x4000, s13;
	s14 =	sadd.s32 @!p1 s15, s14;
	s15 =	simm.s32 @!p1 $0x0  }
0x18: {  	[tilespmem:s13], [sflag:$0x1] =	stream.linear.gather @!p1 [hbm4b:s14+s15], $0x4000, $0x38;
	[tilespmem:$0x10000] =	vst v63  }
0x19: {  	p1 =	seq.s32 s8, $0x0  }
0x1a: {  	p2 =	seq.s32 @!p1 s8, $0x21  }
0x1b: {  	p1 =	por p1, p2  }
.Ltmp2:
0x1c: {  	_ = 	snop;
	(pc) =	sbr.rel @p1 .LBB1_7-.Ltmp2, $1  }
0x1d: {  	_ =	sdelay $0x3  }
0x1e: {  	s13 =	simm.s32 $0x1;
	_ =	swait.ge [sflag:s4], $0x4000;
	s16 =	sshll.u32 s8, $0xE  }
0x1f: {  	s13 =	simm.s32 @!p0 $0x0;
	[sflag:s4] =	ssyncset.done $0x0;
	s31 =	sand.u32 $0x4000, s16  }
0x20: {  	s16 =	simm.s32 $0x0;
	s14 =	sshll.u32 s13, $0xE;
	[sflag:s4] =	ssyncadd.s32 $0xFFFFC000  }
0x21: {  	s13 =	sor.u32 $0x8040, s14;
	s15 =	sor.u32 $0x40, s14;
	s14 =	sor.u32 $0x8000, s31  }
.LBB1_3:
0x22: {  	v0 =	vmov s15;
	_ =	sdelay $0x3  }
0x23: {  	s18 =	simm.s32 $0x0  }
0x24: {  	v6 =	vld.idx.msk [tilespmem:v0+s18+$0x30 ss:$0x1], $0xffff  }
0x25: {  	v7 =	vld.idx.msk [tilespmem:v0+s18+$0xFFFFFFC0 ss:$0x1], $0xffff  }
0x26: {  	v5 =	vld.idx.msk [tilespmem:v0+s18+$0xFFFFFFD0 ss:$0x1], $0xffff  }
0x27: {  	v4 =	vld.idx.msk [tilespmem:v0+s18+$0xFFFFFFE0 ss:$0x1], $0xffff  }
0x28: {  	v3 =	vld.idx.msk [tilespmem:v0+s18+$0xFFFFFFF0 ss:$0x1], $0xffff  }
0x29: {  	v1 =	vld.idx.msk [tilespmem:v0+s18+$0x0 ss:$0x1], $0xffff  }
0x2a: {  	v2 =	vld.idx.msk [tilespmem:v0+s18+$0x10 ss:$0x1], $0xffff;
	[tilespmem:s13+$0x30] =	vst v6  }
0x2b: {  	s17 =	simm.s32 $0x80;
	s19 =	simm.s32 $0x400;
	[tilespmem:s13+$0xFFFFFFC0] =	vst v7;
	v6 =	vld.idx.msk [tilespmem:v0+s18+$0x20 ss:$0x1], $0xffff;
	s18 =	smov.u32 s13  }
.LBB1_4:
0x2c: {  	p1 =	sne.s32 s19, $0xE00;
	v7 =	vld.idx.msk [tilespmem:v0+s17+$0x30 ss:$0x1], $0xffff;
	[tilespmem:s18+$0xFFFFFFD0] =	vst v5  }
0x2d: {  	v8 =	vld.idx.msk [tilespmem:v0+s17+$0xFFFFFFC0 ss:$0x1], $0xffff;
	[tilespmem:s18+$0xFFFFFFE0] =	vst v4  }
0x2e: {  	v5 =	vld.idx.msk [tilespmem:v0+s17+$0xFFFFFFD0 ss:$0x1], $0xffff;
	[tilespmem:s18+$0xFFFFFFF0] =	vst v3  }
.Ltmp3:
0x2f: {  	v4 =	vld.idx.msk [tilespmem:v0+s17+$0xFFFFFFE0 ss:$0x1], $0xffff;
	[tilespmem:s18+$0x0] =	vst v1;
	(pc) =	sbr.rel @p1 .LBB1_4-.Ltmp3, $4  }
0x30: {  	v3 =	vld.idx.msk [tilespmem:v0+s17+$0xFFFFFFF0 ss:$0x1], $0xffff;
	[tilespmem:s18+$0x10] =	vst v2  }
0x31: {  	v1 =	vld.idx.msk [tilespmem:v0+s17+$0x0 ss:$0x1], $0xffff;
	[tilespmem:s18+$0x20] =	vst v6;
	s18 =	sadd.s32 $0x800, s18  }
0x32: {  	v2 =	vld.idx.msk [tilespmem:v0+s17+$0x10 ss:$0x1], $0xffff;
	[tilespmem:s18+$0x30] =	vst v7  }
0x33: {  	[tilespmem:s18+$0xFFFFFFC0] =	vst v8;
	v6 =	vld.idx.msk [tilespmem:v0+s17+$0x20 ss:$0x1], $0xffff;
	s17 =	sshra.s32 s19, $0x2;
	s19 =	sadd.s32 $0x200, s19  }
0x34: {  	_ =	sdelay $0x2  }
0x35: {  	[tilespmem:s18+$0xFFFFFFD0] =	vst v5  }
0x36: {  	v56 =	vld.idx.msk [tilespmem:v0+s17+$0x30 ss:$0x1], $0xffff;
	[tilespmem:s18+$0xFFFFFFE0] =	vst v4  }
0x37: {  	v57 =	vld.idx.msk [tilespmem:v0+s17+$0xFFFFFFC0 ss:$0x1], $0xffff;
	[tilespmem:s18+$0xFFFFFFF0] =	vst v3  }
0x38: {  	v58 =	vld.idx.msk [tilespmem:v0+s17+$0xFFFFFFD0 ss:$0x1], $0xffff;
	[tilespmem:s18+$0x0] =	vst v1  }
0x39: {  	v59 =	vld.idx.msk [tilespmem:v0+s17+$0xFFFFFFE0 ss:$0x1], $0xffff;
	[tilespmem:s18+$0x10] =	vst v2  }
0x3a: {  	v60 =	vld.idx.msk [tilespmem:v0+s17+$0xFFFFFFF0 ss:$0x1], $0xffff;
	s31 =	sadd.s32 $0x800, s18;
	[tilespmem:s18+$0x20] =	vst v6  }
0x3b: {  	v61 =	vld.idx.msk [tilespmem:v0+s17+$0x0 ss:$0x1], $0xffff;
	[tilespmem:s31+$0x30] =	vst v56  }
0x3c: {  	v62 =	vld.idx.msk [tilespmem:v0+s17+$0x10 ss:$0x1], $0xffff;
	s16 =	sadd.s32 $0x1, s16;
	[tilespmem:s31+$0xFFFFFFC0] =	vst v57  }
0x3d: {  	v63 =	vld.idx.msk [tilespmem:v0+s17+$0x20 ss:$0x1], $0xffff;
	p1 =	sne.s32 s16, $0x10;
	[tilespmem:s31+$0xFFFFFFD0] =	vst v58  }
.Ltmp4:
0x3e: {  	[tilespmem:s31+$0xFFFFFFE0] =	vst v59;
	(pc) =	sbr.rel @p1 .LBB1_3-.Ltmp4, $4  }
0x3f: {  	[tilespmem:s31+$0xFFFFFFF0] =	vst v60  }
0x40: {  	[tilespmem:s31+$0x0] =	vst v61  }
0x41: {  	[tilespmem:s31+$0x10] =	vst v62  }
0x42: {  	s13 =	sadd.s32 $0x80, s13;
	s15 =	sadd.s32 $0x400, s15;
	[tilespmem:s31+$0x20] =	vst v63  }
.Ltmp5:
0x43: {  	(pc) =	sbr.rel .LBB1_7-.Ltmp5, $4  }
0x44: {  	s12 =	sshll.u32 s12, $0xC;
	s11 =	sshll.u32 s11, $0x4  }
0x45: {  	s11 =	sand.u32 $0x1F0, s11;
	s12 =	sadd.s32 s3, s12  }
0x46: {  	s11 =	sadd.s32 s11, s12  }
0x47: {  	[hbm4b:s11+s6] =	stream.strided.scatter [tilespmem:s14], [sflag:$0x2], $0x4000, s7, s6, $0x38;
	[tilespmem:$0x10000] =	vst v63  }
.LBB1_8:
0x48: {  	_ =	sfence.sel $0x180000  }
0x49: {  	s2 =	simm.s32 $0x1;
	[bflag:$0x0] =	sbarrier.arrive $0xFFFF  }
0x4a: {  	s31 =	simm.s32 $0x2;
	[sflag:s2] =	ssyncpa.u1 $0x1  }
0x4b: {  	[sflag:s31] =	ssyncpa.u1 $0x1  }
0x4c: {  	p0 =	sne.s32 s1, $0x0;
	_ =	strace $0x90000047  }
0x4d: {  	s0 =	sadd.s32 @!p0 $0x100000, s0;
	[bflag:$0x2] =	sbarrier.arrive $0xFFFF  }
0x4e: {  	[sflag:s0] =	ssyncadd.tile.s32 @!p0 $0x1;
	_ =	shalt  }
.Lfunc_end1:
_tile_overlayer_lowered:
.L_overlay_start_2:
0x4f: {  	(tag) =	ssettag $0x2  }
0x50: {  	s0 =	rddreg [dreg:$0x0];
	s2 =	stileid.u32  }
0x51: {  	s1 =	rddreg [dreg:$0x1];
	p0 =	sne.s32 s2, $0x0  }
0x52: {  	s3 =	rddreg [dreg:$0x2];
	[bflag:$0x3] =	sbarrier.arrive $0xFFFF;
	s2 =	simm.s32 @!p0 $0x1C01  }
0x53: {  	[timem:s3], [sflag:s2] =	dma.local @!p0 [hbm:s0], s1  }
0x54: {  	s0 =	simm.s32 @!p0 $0x1  }
0x55: {  	_ =	swait.ge @!p0 [sflag:s0], s1  }
0x56: {  	s1 =	ssub.s32 @!p0 $0x0, s1;
	[sflag:s0] =	ssyncset.done @!p0 $0x0  }
0x57: {  	[sflag:s0] =	ssyncadd.s32 @!p0 s1  }
0x58: {  	[bflag:$0x3] =	sbarrier.arrive $0xFFFF  }
0x59: {  	_ =	shalt  }

</sc_bundles>
